<compile_context>
chip_gen: v7x
topology: tpu7x:2x2x1
jax: 0.10.2.dev20260603
libtpu: 0.0.44.dev20260713+nightly
codegen_flags: <defaults>
</compile_context>

<pallas_src>
import functools

import jax
import jax.numpy as jnp
from jax import lax
from jax.experimental import pallas as pl
from jax.experimental.pallas import tpu as pltpu
from jax.experimental.pallas import tpu_sc as plsc

N_NODES = 10000
D_FEAT = 128
LANES = 128
BLK = 8
CHUNK = LANES
EBLK = BLK * CHUNK
N_TILES = 16
N_CORES = 2
ACC_ROWS = 10240
ZPT = ACC_ROWS // N_TILES


def _sc_aggregate(x, srcs, dsts, el8, zm, ept):
  nblocks = ept // EBLK
  rows_pt = ept // LANES

  mesh = plsc.VectorSubcoreMesh(core_axis_name="c", subcore_axis_name="s")

  @functools.partial(
      pl.kernel,
      out_type=(
          jax.ShapeDtypeStruct((N_CORES, ACC_ROWS, D_FEAT), jnp.float32),
          jax.ShapeDtypeStruct((N_CORES, ACC_ROWS, 8), jnp.float32),
      ),
      mesh=mesh,
      scratch_types=[
          pltpu.VMEM_SHARED((ACC_ROWS, D_FEAT), jnp.float32),
          pltpu.VMEM_SHARED((ACC_ROWS, 8), jnp.float32),
          pltpu.VMEM((BLK, LANES), jnp.int32),
          pltpu.VMEM((BLK, LANES), jnp.int32),
          pltpu.VMEM((2, CHUNK, D_FEAT), jnp.float32),
          pltpu.VMEM((EBLK, 8), jnp.float32),
          pltpu.SemaphoreType.DMA,
          pltpu.SemaphoreType.DMA,
          pltpu.SemaphoreType.DMA,
          pltpu.SemaphoreType.DMA,
          pltpu.SemaphoreType.DMA,
      ],
      compiler_params=pltpu.CompilerParams(use_tc_tiling_on_sc=False),
  )
  def sck(x_hbm, srcs_hbm, dsts_hbm, el8_hbm, zm_hbm, accx_out, accm_out,
          accx_s, accm_s, sidx, didx, xbuf, lbuf,
          gsem0, gsem1, xsem0, xsem1, msem):
    c = lax.axis_index("c")
    s = lax.axis_index("s")
    gsem = (gsem0, gsem1)
    xsem = (xsem0, xsem1)

    def zbody(i, _):
      for j in range(D_FEAT // 16):
        xbuf[0, i, pl.ds(j * 16, 16)] = jnp.zeros((16,), jnp.float32)
      return _
    lax.fori_loop(0, CHUNK, zbody, 0)

    zr = s * ZPT
    for kk in range(ZPT // CHUNK):
      pltpu.sync_copy(xbuf.at[0], accx_s.at[pl.ds(zr + kk * CHUNK, CHUNK)])
    pltpu.sync_copy(zm_hbm.at[pl.ds(zr, ZPT)], accm_s.at[pl.ds(zr, ZPT)])
    plsc.subcore_barrier()

    def block(blk, _):
      rb = s * rows_pt + blk * BLK
      pltpu.sync_copy(srcs_hbm.at[c, pl.ds(rb, BLK)], sidx)
      pltpu.sync_copy(dsts_hbm.at[c, pl.ds(rb, BLK)], didx)
      pltpu.sync_copy(el8_hbm.at[pl.ds(rb * LANES, EBLK)], lbuf)
      for k in range(BLK):
        p = k % 2
        if k >= 2:
          pltpu.make_async_copy(
              xbuf.at[p], accx_s.at[didx.at[k - 2]], xsem[p]).wait()
        pltpu.async_copy(x_hbm.at[sidx.at[k]], xbuf.at[p], gsem[p])
        if k >= 1:
          q = 1 - p
          pltpu.make_async_copy(x_hbm.at[sidx.at[k - 1]], xbuf.at[q],
                                gsem[q]).wait()
          pltpu.async_copy(xbuf.at[q], accx_s.at[didx.at[k - 1]],
                           xsem[q], add=True)
          pltpu.async_copy(lbuf.at[pl.ds((k - 1) * CHUNK, CHUNK)],
                           accm_s.at[didx.at[k - 1]], msem, add=True)
      pl_ = (BLK - 1) % 2
      pltpu.make_async_copy(x_hbm.at[sidx.at[BLK - 1]], xbuf.at[pl_],
                            gsem[pl_]).wait()
      pltpu.async_copy(xbuf.at[pl_], accx_s.at[didx.at[BLK - 1]],
                       xsem[pl_], add=True)
      pltpu.async_copy(lbuf.at[pl.ds((BLK - 1) * CHUNK, CHUNK)],
                       accm_s.at[didx.at[BLK - 1]], msem, add=True)
      for p in range(2):
        pltpu.make_async_copy(
            xbuf.at[p], accx_s.at[didx.at[0]], xsem[p]).wait()
      for k in range(BLK):
        pltpu.make_async_copy(lbuf.at[pl.ds(0, CHUNK)],
                              accm_s.at[didx.at[0]], msem).wait()
      return _
    lax.fori_loop(0, nblocks, block, 0)
    plsc.subcore_barrier()

    orows = ACC_ROWS // N_TILES
    orb = s * orows
    pltpu.sync_copy(accx_s.at[pl.ds(orb, orows)],
                    accx_out.at[c, pl.ds(orb, orows)])
    pltpu.sync_copy(accm_s.at[pl.ds(orb, orows)],
                    accm_out.at[c, pl.ds(orb, orows)])

  return sck(x, srcs, dsts, el8, zm)


def _tc_epilogue(ax0, ax1, am0, am1, weight, trans_weight, bias2d):
  blk = 1000
  grid = (N_NODES // blk,)

  def body(ax0_r, ax1_r, am0_r, am1_r, w_r, tw_r, b_r, o_r):
    w = w_r[...]
    tw = tw_r[...]
    f32 = jnp.float32
    a = jnp.dot(ax0_r[...], w[0:128], preferred_element_type=f32)
    a = a + jnp.dot(am0_r[:, 0:4], jnp.dot(tw, w[128:256],
                                           preferred_element_type=f32),
                    preferred_element_type=f32)
    c0 = jnp.maximum(am0_r[:, 4:5], 1.0)
    b = jnp.dot(ax1_r[...], w[256:384], preferred_element_type=f32)
    b = b + jnp.dot(am1_r[:, 0:4], jnp.dot(tw, w[384:512],
                                           preferred_element_type=f32),
                    preferred_element_type=f32)
    c1 = jnp.maximum(am1_r[:, 4:5], 1.0)
    o_r[...] = a / c0 + b / c1 + b_r[...]

  return pl.pallas_call(
      body,
      grid=grid,
      in_specs=[
          pl.BlockSpec((blk, D_FEAT), lambda i: (i, 0)),
          pl.BlockSpec((blk, D_FEAT), lambda i: (i, 0)),
          pl.BlockSpec((blk, 8), lambda i: (i, 0)),
          pl.BlockSpec((blk, 8), lambda i: (i, 0)),
          pl.BlockSpec((512, 128), lambda i: (0, 0)),
          pl.BlockSpec((4, 128), lambda i: (0, 0)),
          pl.BlockSpec((1, 128), lambda i: (0, 0)),
      ],
      out_specs=pl.BlockSpec((blk, D_FEAT), lambda i: (i, 0)),
      out_shape=jax.ShapeDtypeStruct((N_NODES, D_FEAT), jnp.float32),
  )(ax0, ax1, am0, am1, weight, trans_weight, bias2d)


def kernel(x, edge_index, edge_label, weight, bias, trans_weight):
  e = edge_index.shape[1]
  ept = ((e + N_TILES * EBLK - 1) // (N_TILES * EBLK)) * EBLK
  e_pad = ept * N_TILES
  pad = e_pad - e

  ei = edge_index.astype(jnp.int32)
  row_s = jnp.concatenate([ei[0], jnp.zeros((pad,), jnp.int32)])
  col_s = jnp.concatenate([ei[1], jnp.zeros((pad,), jnp.int32)])
  row_d = jnp.concatenate([ei[0], jnp.full((pad,), N_NODES, jnp.int32)])
  col_d = jnp.concatenate([ei[1], jnp.full((pad,), N_NODES, jnp.int32)])
  srcs = jnp.stack([col_s, row_s]).reshape(2, e_pad // LANES, LANES)
  dsts = jnp.stack([row_d, col_d]).reshape(2, e_pad // LANES, LANES)
  el8 = jnp.concatenate(
      [edge_label, jnp.ones((e, 1), jnp.float32),
       jnp.zeros((e, 3), jnp.float32)], axis=1)
  el8 = jnp.concatenate([el8, jnp.zeros((pad, 8), jnp.float32)], axis=0)
  zm = jnp.zeros((ACC_ROWS, 8), jnp.float32)

  acc_x, acc_m = _sc_aggregate(x, srcs, dsts, el8, zm, ept)

  return _tc_epilogue(
      acc_x[0, :N_NODES], acc_x[1, :N_NODES],
      acc_m[0, :N_NODES], acc_m[1, :N_NODES],
      weight, trans_weight, bias.reshape(1, D_FEAT))

# --- scband reference (transcript-rebuilt; emitter-appended) ---
"""Pipeline reference for scband-convolution-base-in-out-13073880449167 (READ-ONLY COPY).

The authoritative reference and input builder live on the scoring server;
editing this copy changes nothing except your own understanding.
"""

import jax, jax.numpy as jnp
import numpy as np
import math

N_NODES = 10000
N_EDGES = 320000
D_FEAT = 128
IN_CH = 512
OUT_CH = 128
NUM_LABELS = 4


def setup_inputs(seed: int = 0) -> dict:
    key = jax.random.key(seed)
    k1, k2, k3, k4, k5, k6 = jax.random.split(key, 6)
    x = jax.random.normal(k1, (N_NODES, D_FEAT), dtype=jnp.float32)
    edge_index = jax.random.randint(k2, (2, N_EDGES), 0, N_NODES, dtype=jnp.int64)
    edge_label = jax.random.uniform(k3, (N_EDGES, NUM_LABELS), dtype=jnp.float32)
    # parameters, uniform(-1/sqrt(size), 1/sqrt(size)) as in reset_parameters
    stdv_w = 1.0 / math.sqrt(IN_CH)
    weight = jax.random.uniform(k4, (IN_CH, OUT_CH), minval=-stdv_w, maxval=stdv_w, dtype=jnp.float32)
    bias = jax.random.uniform(k5, (OUT_CH,), minval=-stdv_w, maxval=stdv_w, dtype=jnp.float32)
    stdv_t = 1.0 / math.sqrt(NUM_LABELS)
    trans_weight = jax.random.uniform(k6, (NUM_LABELS, IN_CH // 4), minval=-stdv_t, maxval=stdv_t, dtype=jnp.float32)
    return {"x": x, "edge_index": edge_index, "edge_label": edge_label,
            "weight": weight, "bias": bias, "trans_weight": trans_weight}


def _scatter_mean(vals, idx, num_segments):
    s = jax.ops.segment_sum(vals, idx, num_segments=num_segments)
    cnt = jax.ops.segment_sum(jnp.ones((vals.shape[0], 1), dtype=vals.dtype), idx, num_segments=num_segments)
    return s / jnp.clip(cnt, 1.0, None)


def reference(x, edge_index, edge_label, weight, bias, trans_weight):
    row = edge_index[0]
    col = edge_index[1]
    n = x.shape[0]
    edge_label_trans = jnp.matmul(edge_label, trans_weight)
    opinion = _scatter_mean(edge_label_trans, row, n)
    out = _scatter_mean(x[col], row, n)
    inn_opinion = _scatter_mean(edge_label_trans, col, n)
    inn = _scatter_mean(x[row], col, n)
    out = jnp.concatenate((out, opinion, inn, inn_opinion), axis=1)
    out = jnp.matmul(out, weight)
    out = out + bias
    return out

if __name__ == "__main__":
    import jax
    _d = setup_inputs()
    print(jax.jit(kernel)(*tuple(_d.values())))

</pallas_src>

<mosaic_0001>
#map = affine_map<(d0, d1) -> (0, 0)>
#map1 = affine_map<(d0, d1) -> (0, 0, 0)>
module attributes {stable_mosaic.version = 14 : i64} {
  func.func @sck(%arg0: i32, %arg1: i32, %arg2: memref<10000x128xf32, #tpu.memory_space<hbm>>, %arg3: memref<2x2560x128xi32, #tpu.memory_space<hbm>>, %arg4: memref<2x2560x128xi32, #tpu.memory_space<hbm>>, %arg5: memref<327680x8xf32, #tpu.memory_space<hbm>>, %arg6: memref<10240x8xf32, #tpu.memory_space<hbm>>, %arg7: memref<2x10240x128xf32, #tpu.memory_space<hbm>>, %arg8: memref<2x10240x8xf32, #tpu.memory_space<hbm>>, %arg9: memref<10240x128xf32, #tpu.memory_space<vmem_shared>>, %arg10: memref<10240x8xf32, #tpu.memory_space<vmem_shared>>, %arg11: memref<8x128xi32, #tpu.memory_space<vmem>>, %arg12: memref<8x128xi32, #tpu.memory_space<vmem>>, %arg13: memref<2x128x128xf32, #tpu.memory_space<vmem>>, %arg14: memref<1024x8xf32, #tpu.memory_space<vmem>>, %arg15: memref<!tpu.dma_semaphore, #tpu.memory_space<semaphore_mem>>, %arg16: memref<!tpu.dma_semaphore, #tpu.memory_space<semaphore_mem>>, %arg17: memref<!tpu.dma_semaphore, #tpu.memory_space<semaphore_mem>>, %arg18: memref<!tpu.dma_semaphore, #tpu.memory_space<semaphore_mem>>, %arg19: memref<!tpu.dma_semaphore, #tpu.memory_space<semaphore_mem>>) attributes {dimension_semantics = [#tpu.dimension_semantics<core_parallel>, #tpu.dimension_semantics<subcore_parallel>], iteration_bounds = array<i64: 2, 16>, scalar_prefetch = 0 : i64, scratch_operands = 11 : i64, tpu.core_type = #tpu.core_type<sc_vector_subcore>, window_params = [{transform_indices = #map}, {transform_indices = #map1}, {transform_indices = #map1}, {transform_indices = #map}, {transform_indices = #map}, {transform_indices = #map1}, {transform_indices = #map1}]} {
    %scan3A = arith.constant 0 : i32
    %scan3A_0 = arith.constant 0 : i32
    %scan3A_1 = arith.constant 128 : i32
    %scan3A_2 = arith.addi %scan3A_0, %scan3A_1 : i32
    %scan3A_3 = arith.constant 1 : i32
    scf.for %scan3A_28 = %scan3A_0 to %scan3A_2 step %scan3A_3  : i32 {
      %broadcast_in_dim3A = arith.constant 0.000000e+00 : f32
      %broadcast_in_dim3A_29 = vector.broadcast %broadcast_in_dim3A : f32 to vector<16xf32>
      %swap3A = arith.constant 0 : i32
      %swap3A_30 = arith.index_cast %swap3A : i32 to index
      %swap3A_31 = arith.index_cast %scan3A_28 : i32 to index
      %swap3A_32 = arith.constant 0 : index
      %swap3A_33 = tpu.vector_load %arg13[%swap3A_30, %swap3A_31, %swap3A_32] {strides = array<i32>} : memref<2x128x128xf32, #tpu.memory_space<vmem>>, vector<1x1x16xf32>,
      %swap3A_34 = vector.shape_cast %swap3A_33 : vector<1x1x16xf32> to vector<16xf32>
      %swap3A_35 = vector.shape_cast %broadcast_in_dim3A_29 : vector<16xf32> to vector<1x1x16xf32>
      tpu.vector_store %arg13[%swap3A_30, %swap3A_31, %swap3A_32], %swap3A_35 {strides = array<i32>} : memref<2x128x128xf32, #tpu.memory_space<vmem>>, vector<1x1x16xf32>,
      %broadcast_in_dim3A_36 = arith.constant 0.000000e+00 : f32
      %broadcast_in_dim3A_37 = vector.broadcast %broadcast_in_dim3A_36 : f32 to vector<16xf32>
      %swap3A_38 = arith.constant 0 : i32
      %swap3A_39 = arith.index_cast %swap3A_38 : i32 to index
      %swap3A_40 = arith.index_cast %scan3A_28 : i32 to index
      %swap3A_41 = arith.constant 16 : index
      %swap3A_42 = tpu.vector_load %arg13[%swap3A_39, %swap3A_40, %swap3A_41] {strides = array<i32>} : memref<2x128x128xf32, #tpu.memory_space<vmem>>, vector<1x1x16xf32>,
      %swap3A_43 = vector.shape_cast %swap3A_42 : vector<1x1x16xf32> to vector<16xf32>
      %swap3A_44 = vector.shape_cast %broadcast_in_dim3A_37 : vector<16xf32> to vector<1x1x16xf32>
      tpu.vector_store %arg13[%swap3A_39, %swap3A_40, %swap3A_41], %swap3A_44 {strides = array<i32>} : memref<2x128x128xf32, #tpu.memory_space<vmem>>, vector<1x1x16xf32>,
      %broadcast_in_dim3A_45 = arith.constant 0.000000e+00 : f32
      %broadcast_in_dim3A_46 = vector.broadcast %broadcast_in_dim3A_45 : f32 to vector<16xf32>
      %swap3A_47 = arith.constant 0 : i32
      %swap3A_48 = arith.index_cast %swap3A_47 : i32 to index
      %swap3A_49 = arith.index_cast %scan3A_28 : i32 to index
      %swap3A_50 = arith.constant 32 : index
      %swap3A_51 = tpu.vector_load %arg13[%swap3A_48, %swap3A_49, %swap3A_50] {strides = array<i32>} : memref<2x128x128xf32, #tpu.memory_space<vmem>>, vector<1x1x16xf32>,
      %swap3A_52 = vector.shape_cast %swap3A_51 : vector<1x1x16xf32> to vector<16xf32>
      %swap3A_53 = vector.shape_cast %broadcast_in_dim3A_46 : vector<16xf32> to vector<1x1x16xf32>
      tpu.vector_store %arg13[%swap3A_48, %swap3A_49, %swap3A_50], %swap3A_53 {strides = array<i32>} : memref<2x128x128xf32, #tpu.memory_space<vmem>>, vector<1x1x16xf32>,
      %broadcast_in_dim3A_54 = arith.constant 0.000000e+00 : f32
      %broadcast_in_dim3A_55 = vector.broadcast %broadcast_in_dim3A_54 : f32 to vector<16xf32>
      %swap3A_56 = arith.constant 0 : i32
      %swap3A_57 = arith.index_cast %swap3A_56 : i32 to index
      %swap3A_58 = arith.index_cast %scan3A_28 : i32 to index
      %swap3A_59 = arith.constant 48 : index
      %swap3A_60 = tpu.vector_load %arg13[%swap3A_57, %swap3A_58, %swap3A_59] {strides = array<i32>} : memref<2x128x128xf32, #tpu.memory_space<vmem>>, vector<1x1x16xf32>,
      %swap3A_61 = vector.shape_cast %swap3A_60 : vector<1x1x16xf32> to vector<16xf32>
      %swap3A_62 = vector.shape_cast %broadcast_in_dim3A_55 : vector<16xf32> to vector<1x1x16xf32>
      tpu.vector_store %arg13[%swap3A_57, %swap3A_58, %swap3A_59], %swap3A_62 {strides = array<i32>} : memref<2x128x128xf32, #tpu.memory_space<vmem>>, vector<1x1x16xf32>,
      %broadcast_in_dim3A_63 = arith.constant 0.000000e+00 : f32
      %broadcast_in_dim3A_64 = vector.broadcast %broadcast_in_dim3A_63 : f32 to vector<16xf32>
      %swap3A_65 = arith.constant 0 : i32
      %swap3A_66 = arith.index_cast %swap3A_65 : i32 to index
      %swap3A_67 = arith.index_cast %scan3A_28 : i32 to index
      %swap3A_68 = arith.constant 64 : index
      %swap3A_69 = tpu.vector_load %arg13[%swap3A_66, %swap3A_67, %swap3A_68] {strides = array<i32>} : memref<2x128x128xf32, #tpu.memory_space<vmem>>, vector<1x1x16xf32>,
      %swap3A_70 = vector.shape_cast %swap3A_69 : vector<1x1x16xf32> to vector<16xf32>
      %swap3A_71 = vector.shape_cast %broadcast_in_dim3A_64 : vector<16xf32> to vector<1x1x16xf32>
      tpu.vector_store %arg13[%swap3A_66, %swap3A_67, %swap3A_68], %swap3A_71 {strides = array<i32>} : memref<2x128x128xf32, #tpu.memory_space<vmem>>, vector<1x1x16xf32>,
      %broadcast_in_dim3A_72 = arith.constant 0.000000e+00 : f32
      %broadcast_in_dim3A_73 = vector.broadcast %broadcast_in_dim3A_72 : f32 to vector<16xf32>
      %swap3A_74 = arith.constant 0 : i32
      %swap3A_75 = arith.index_cast %swap3A_74 : i32 to index
      %swap3A_76 = arith.index_cast %scan3A_28 : i32 to index
      %swap3A_77 = arith.constant 80 : index
      %swap3A_78 = tpu.vector_load %arg13[%swap3A_75, %swap3A_76, %swap3A_77] {strides = array<i32>} : memref<2x128x128xf32, #tpu.memory_space<vmem>>, vector<1x1x16xf32>,
      %swap3A_79 = vector.shape_cast %swap3A_78 : vector<1x1x16xf32> to vector<16xf32>
      %swap3A_80 = vector.shape_cast %broadcast_in_dim3A_73 : vector<16xf32> to vector<1x1x16xf32>
      tpu.vector_store %arg13[%swap3A_75, %swap3A_76, %swap3A_77], %swap3A_80 {strides = array<i32>} : memref<2x128x128xf32, #tpu.memory_space<vmem>>, vector<1x1x16xf32>,
      %broadcast_in_dim3A_81 = arith.constant 0.000000e+00 : f32
      %broadcast_in_dim3A_82 = vector.broadcast %broadcast_in_dim3A_81 : f32 to vector<16xf32>
      %swap3A_83 = arith.constant 0 : i32
      %swap3A_84 = arith.index_cast %swap3A_83 : i32 to index
      %swap3A_85 = arith.index_cast %scan3A_28 : i32 to index
      %swap3A_86 = arith.constant 96 : index
      %swap3A_87 = tpu.vector_load %arg13[%swap3A_84, %swap3A_85, %swap3A_86] {strides = array<i32>} : memref<2x128x128xf32, #tpu.memory_space<vmem>>, vector<1x1x16xf32>,
      %swap3A_88 = vector.shape_cast %swap3A_87 : vector<1x1x16xf32> to vector<16xf32>
      %swap3A_89 = vector.shape_cast %broadcast_in_dim3A_82 : vector<16xf32> to vector<1x1x16xf32>
      tpu.vector_store %arg13[%swap3A_84, %swap3A_85, %swap3A_86], %swap3A_89 {strides = array<i32>} : memref<2x128x128xf32, #tpu.memory_space<vmem>>, vector<1x1x16xf32>,
      %broadcast_in_dim3A_90 = arith.constant 0.000000e+00 : f32
      %broadcast_in_dim3A_91 = vector.broadcast %broadcast_in_dim3A_90 : f32 to vector<16xf32>
      %swap3A_92 = arith.constant 0 : i32
      %swap3A_93 = arith.index_cast %swap3A_92 : i32 to index
      %swap3A_94 = arith.index_cast %scan3A_28 : i32 to index
      %swap3A_95 = arith.constant 112 : index
      %swap3A_96 = tpu.vector_load %arg13[%swap3A_93, %swap3A_94, %swap3A_95] {strides = array<i32>} : memref<2x128x128xf32, #tpu.memory_space<vmem>>, vector<1x1x16xf32>,
      %swap3A_97 = vector.shape_cast %swap3A_96 : vector<1x1x16xf32> to vector<16xf32>
      %swap3A_98 = vector.shape_cast %broadcast_in_dim3A_91 : vector<16xf32> to vector<1x1x16xf32>
      tpu.vector_store %arg13[%swap3A_93, %swap3A_94, %swap3A_95], %swap3A_98 {strides = array<i32>} : memref<2x128x128xf32, #tpu.memory_space<vmem>>, vector<1x1x16xf32>,
    }
    %scan3A_4 = arith.constant 128 : i32
    %mul3A = arith.constant 640 : i32
    %mul3A_5 = arith.muli %arg1, %mul3A : i32
    %add3A = arith.constant 0 : i32
    %add3A_6 = arith.addi %mul3A_5, %add3A : i32
    %run_scoped3A = arith.constant 0 : i32
    "tpu.region"() ({
      %run_scoped3A_28 = tpu.sem_alloc : memref<!tpu.dma_semaphore, #tpu.memory_space<semaphore_mem>>
      %dma_start3A = arith.constant 0 : i32
      %dma_start3A_29 = arith.constant 0 : i32
      %dma_start3A_30 = tpu.memref_slice %arg13[%run_scoped3A, %dma_start3A, %dma_start3A_29] : memref<2x128x128xf32, #tpu.memory_space<vmem>> -> memref<1x128x128xf32, #tpu.memory_space<vmem>>
      %dma_start3A_31 = tpu.memref_squeeze %dma_start3A_30 : memref<1x128x128xf32, #tpu.memory_space<vmem>> -> memref<128x128xf32, #tpu.memory_space<vmem>>
      %dma_start3A_32 = arith.constant 0 : i32
      %dma_start3A_33 = tpu.memref_slice %arg9[%add3A_6, %dma_start3A_32] : memref<10240x128xf32, #tpu.memory_space<vmem_shared>> -> memref<128x128xf32, #tpu.memory_space<vmem_shared>>
      %dma_start3A_34 = arith.constant 0 : i32
      %dma_start3A_35 = tpu.memref_slice %arg9[%add3A_6, %dma_start3A_34] : memref<10240x128xf32, #tpu.memory_space<vmem_shared>> -> memref<128x128xf32, #tpu.memory_space<vmem_shared>>
      %dma_start3A_36 = arith.constant 0 : i32
      %dma_start3A_37 = arith.constant 0 : i32
      %dma_start3A_38 = tpu.memref_slice %arg13[%run_scoped3A, %dma_start3A_36, %dma_start3A_37] : memref<2x128x128xf32, #tpu.memory_space<vmem>> -> memref<1x128x128xf32, #tpu.memory_space<vmem>>
      %dma_start3A_39 = tpu.memref_squeeze %dma_start3A_38 : memref<1x128x128xf32, #tpu.memory_space<vmem>> -> memref<128x128xf32, #tpu.memory_space<vmem>>
      tpu.enqueue_dma source(%dma_start3A_39 : memref<128x128xf32, #tpu.memory_space<vmem>>) target(%dma_start3A_35 : memref<128x128xf32, #tpu.memory_space<vmem_shared>>) target_semaphore(%run_scoped3A_28 : memref<!tpu.dma_semaphore, #tpu.memory_space<semaphore_mem>>)
      %dma_wait3A = arith.constant 0 : i32
      %dma_wait3A_40 = arith.constant 0 : i32
      %dma_wait3A_41 = tpu.memref_slice %arg13[%run_scoped3A, %dma_wait3A, %dma_wait3A_40] : memref<2x128x128xf32, #tpu.memory_space<vmem>> -> memref<1x128x128xf32, #tpu.memory_space<vmem>>
      %dma_wait3A_42 = tpu.memref_squeeze %dma_wait3A_41 : memref<1x128x128xf32, #tpu.memory_space<vmem>> -> memref<128x128xf32, #tpu.memory_space<vmem>>
      %dma_wait3A_43 = arith.constant 0 : i32
      %dma_wait3A_44 = tpu.memref_slice %arg9[%add3A_6, %dma_wait3A_43] : memref<10240x128xf32, #tpu.memory_space<vmem_shared>> -> memref<128x128xf32, #tpu.memory_space<vmem_shared>>
      %dma_wait3A_45 = arith.constant 0 : i32
      %dma_wait3A_46 = tpu.memref_slice %arg9[%add3A_6, %dma_wait3A_45] : memref<10240x128xf32, #tpu.memory_space<vmem_shared>> -> memref<128x128xf32, #tpu.memory_space<vmem_shared>>
      %dma_wait3A_47 = arith.constant 0 : i32
      %dma_wait3A_48 = arith.constant 0 : i32
      %dma_wait3A_49 = tpu.memref_slice %arg13[%run_scoped3A, %dma_wait3A_47, %dma_wait3A_48] : memref<2x128x128xf32, #tpu.memory_space<vmem>> -> memref<1x128x128xf32, #tpu.memory_space<vmem>>
      %dma_wait3A_50 = tpu.memref_squeeze %dma_wait3A_49 : memref<1x128x128xf32, #tpu.memory_space<vmem>> -> memref<128x128xf32, #tpu.memory_space<vmem>>
      tpu.wait_dma2 semaphore(%run_scoped3A_28 : memref<!tpu.dma_semaphore, #tpu.memory_space<semaphore_mem>>) src(%dma_wait3A_50 : memref<128x128xf32, #tpu.memory_space<vmem>>) dst(%dma_wait3A_46 : memref<128x128xf32, #tpu.memory_space<vmem_shared>>)
      tpu.yield
    }) : () -> ()
    %add3A_7 = arith.constant 128 : i32
    %add3A_8 = arith.addi %mul3A_5, %add3A_7 : i32
    %run_scoped3A_9 = arith.constant 0 : i32
    "tpu.region"() ({
      %run_scoped3A_28 = tpu.sem_alloc : memref<!tpu.dma_semaphore, #tpu.memory_space<semaphore_mem>>
      %dma_start3A = arith.constant 0 : i32
      %dma_start3A_29 = arith.constant 0 : i32
      %dma_start3A_30 = tpu.memref_slice %arg13[%run_scoped3A_9, %dma_start3A, %dma_start3A_29] : memref<2x128x128xf32, #tpu.memory_space<vmem>> -> memref<1x128x128xf32, #tpu.memory_space<vmem>>
      %dma_start3A_31 = tpu.memref_squeeze %dma_start3A_30 : memref<1x128x128xf32, #tpu.memory_space<vmem>> -> memref<128x128xf32, #tpu.memory_space<vmem>>
      %dma_start3A_32 = arith.constant 0 : i32
      %dma_start3A_33 = tpu.memref_slice %arg9[%add3A_8, %dma_start3A_32] : memref<10240x128xf32, #tpu.memory_space<vmem_shared>> -> memref<128x128xf32, #tpu.memory_space<vmem_shared>>
      %dma_start3A_34 = arith.constant 0 : i32
      %dma_start3A_35 = tpu.memref_slice %arg9[%add3A_8, %dma_start3A_34] : memref<10240x128xf32, #tpu.memory_space<vmem_shared>> -> memref<128x128xf32, #tpu.memory_space<vmem_shared>>
      %dma_start3A_36 = arith.constant 0 : i32
      %dma_start3A_37 = arith.constant 0 : i32
      %dma_start3A_38 = tpu.memref_slice %arg13[%run_scoped3A_9, %dma_start3A_36, %dma_start3A_37] : memref<2x128x128xf32, #tpu.memory_space<vmem>> -> memref<1x128x128xf32, #tpu.memory_space<vmem>>
      %dma_start3A_39 = tpu.memref_squeeze %dma_start3A_38 : memref<1x128x128xf32, #tpu.memory_space<vmem>> -> memref<128x128xf32, #tpu.memory_space<vmem>>
      tpu.enqueue_dma source(%dma_start3A_39 : memref<128x128xf32, #tpu.memory_space<vmem>>) target(%dma_start3A_35 : memref<128x128xf32, #tpu.memory_space<vmem_shared>>) target_semaphore(%run_scoped3A_28 : memref<!tpu.dma_semaphore, #tpu.memory_space<semaphore_mem>>)
      %dma_wait3A = arith.constant 0 : i32
      %dma_wait3A_40 = arith.constant 0 : i32
      %dma_wait3A_41 = tpu.memref_slice %arg13[%run_scoped3A_9, %dma_wait3A, %dma_wait3A_40] : memref<2x128x128xf32, #tpu.memory_space<vmem>> -> memref<1x128x128xf32, #tpu.memory_space<vmem>>
      %dma_wait3A_42 = tpu.memref_squeeze %dma_wait3A_41 : memref<1x128x128xf32, #tpu.memory_space<vmem>> -> memref<128x128xf32, #tpu.memory_space<vmem>>
      %dma_wait3A_43 = arith.constant 0 : i32
      %dma_wait3A_44 = tpu.memref_slice %arg9[%add3A_8, %dma_wait3A_43] : memref<10240x128xf32, #tpu.memory_space<vmem_shared>> -> memref<128x128xf32, #tpu.memory_space<vmem_shared>>
      %dma_wait3A_45 = arith.constant 0 : i32
      %dma_wait3A_46 = tpu.memref_slice %arg9[%add3A_8, %dma_wait3A_45] : memref<10240x128xf32, #tpu.memory_space<vmem_shared>> -> memref<128x128xf32, #tpu.memory_space<vmem_shared>>
      %dma_wait3A_47 = arith.constant 0 : i32
      %dma_wait3A_48 = arith.constant 0 : i32
      %dma_wait3A_49 = tpu.memref_slice %arg13[%run_scoped3A_9, %dma_wait3A_47, %dma_wait3A_48] : memref<2x128x128xf32, #tpu.memory_space<vmem>> -> memref<1x128x128xf32, #tpu.memory_space<vmem>>
      %dma_wait3A_50 = tpu.memref_squeeze %dma_wait3A_49 : memref<1x128x128xf32, #tpu.memory_space<vmem>> -> memref<128x128xf32, #tpu.memory_space<vmem>>
      tpu.wait_dma2 semaphore(%run_scoped3A_28 : memref<!tpu.dma_semaphore, #tpu.memory_space<semaphore_mem>>) src(%dma_wait3A_50 : memref<128x128xf32, #tpu.memory_space<vmem>>) dst(%dma_wait3A_46 : memref<128x128xf32, #tpu.memory_space<vmem_shared>>)
      tpu.yield
    }) : () -> ()
    %add3A_10 = arith.constant 256 : i32
    %add3A_11 = arith.addi %mul3A_5, %add3A_10 : i32
    %run_scoped3A_12 = arith.constant 0 : i32
    "tpu.region"() ({
      %run_scoped3A_28 = tpu.sem_alloc : memref<!tpu.dma_semaphore, #tpu.memory_space<semaphore_mem>>
      %dma_start3A = arith.constant 0 : i32
      %dma_start3A_29 = arith.constant 0 : i32
      %dma_start3A_30 = tpu.memref_slice %arg13[%run_scoped3A_12, %dma_start3A, %dma_start3A_29] : memref<2x128x128xf32, #tpu.memory_space<vmem>> -> memref<1x128x128xf32, #tpu.memory_space<vmem>>
      %dma_start3A_31 = tpu.memref_squeeze %dma_start3A_30 : memref<1x128x128xf32, #tpu.memory_space<vmem>> -> memref<128x128xf32, #tpu.memory_space<vmem>>
      %dma_start3A_32 = arith.constant 0 : i32
      %dma_start3A_33 = tpu.memref_slice %arg9[%add3A_11, %dma_start3A_32] : memref<10240x128xf32, #tpu.memory_space<vmem_shared>> -> memref<128x128xf32, #tpu.memory_space<vmem_shared>>
      %dma_start3A_34 = arith.constant 0 : i32
      %dma_start3A_35 = tpu.memref_slice %arg9[%add3A_11, %dma_start3A_34] : memref<10240x128xf32, #tpu.memory_space<vmem_shared>> -> memref<128x128xf32, #tpu.memory_space<vmem_shared>>
      %dma_start3A_36 = arith.constant 0 : i32
      %dma_start3A_37 = arith.constant 0 : i32
      %dma_start3A_38 = tpu.memref_slice %arg13[%run_scoped3A_12, %dma_start3A_36, %dma_start3A_37] : memref<2x128x128xf32, #tpu.memory_space<vmem>> -> memref<1x128x128xf32, #tpu.memory_space<vmem>>
      %dma_start3A_39 = tpu.memref_squeeze %dma_start3A_38 : memref<1x128x128xf32, #tpu.memory_space<vmem>> -> memref<128x128xf32, #tpu.memory_space<vmem>>
      tpu.enqueue_dma source(%dma_start3A_39 : memref<128x128xf32, #tpu.memory_space<vmem>>) target(%dma_start3A_35 : memref<128x128xf32, #tpu.memory_space<vmem_shared>>) target_semaphore(%run_scoped3A_28 : memref<!tpu.dma_semaphore, #tpu.memory_space<semaphore_mem>>)
      %dma_wait3A = arith.constant 0 : i32
      %dma_wait3A_40 = arith.constant 0 : i32
      %dma_wait3A_41 = tpu.memref_slice %arg13[%run_scoped3A_12, %dma_wait3A, %dma_wait3A_40] : memref<2x128x128xf32, #tpu.memory_space<vmem>> -> memref<1x128x128xf32, #tpu.memory_space<vmem>>
      %dma_wait3A_42 = tpu.memref_squeeze %dma_wait3A_41 : memref<1x128x128xf32, #tpu.memory_space<vmem>> -> memref<128x128xf32, #tpu.memory_space<vmem>>
      %dma_wait3A_43 = arith.constant 0 : i32
      %dma_wait3A_44 = tpu.memref_slice %arg9[%add3A_11, %dma_wait3A_43] : memref<10240x128xf32, #tpu.memory_space<vmem_shared>> -> memref<128x128xf32, #tpu.memory_space<vmem_shared>>
      %dma_wait3A_45 = arith.constant 0 : i32
      %dma_wait3A_46 = tpu.memref_slice %arg9[%add3A_11, %dma_wait3A_45] : memref<10240x128xf32, #tpu.memory_space<vmem_shared>> -> memref<128x128xf32, #tpu.memory_space<vmem_shared>>
      %dma_wait3A_47 = arith.constant 0 : i32
      %dma_wait3A_48 = arith.constant 0 : i32
      %dma_wait3A_49 = tpu.memref_slice %arg13[%run_scoped3A_12, %dma_wait3A_47, %dma_wait3A_48] : memref<2x128x128xf32, #tpu.memory_space<vmem>> -> memref<1x128x128xf32, #tpu.memory_space<vmem>>
      %dma_wait3A_50 = tpu.memref_squeeze %dma_wait3A_49 : memref<1x128x128xf32, #tpu.memory_space<vmem>> -> memref<128x128xf32, #tpu.memory_space<vmem>>
      tpu.wait_dma2 semaphore(%run_scoped3A_28 : memref<!tpu.dma_semaphore, #tpu.memory_space<semaphore_mem>>) src(%dma_wait3A_50 : memref<128x128xf32, #tpu.memory_space<vmem>>) dst(%dma_wait3A_46 : memref<128x128xf32, #tpu.memory_space<vmem_shared>>)
      tpu.yield
    }) : () -> ()
    %add3A_13 = arith.constant 384 : i32
    %add3A_14 = arith.addi %mul3A_5, %add3A_13 : i32
    %run_scoped3A_15 = arith.constant 0 : i32
    "tpu.region"() ({
      %run_scoped3A_28 = tpu.sem_alloc : memref<!tpu.dma_semaphore, #tpu.memory_space<semaphore_mem>>
      %dma_start3A = arith.constant 0 : i32
      %dma_start3A_29 = arith.constant 0 : i32
      %dma_start3A_30 = tpu.memref_slice %arg13[%run_scoped3A_15, %dma_start3A, %dma_start3A_29] : memref<2x128x128xf32, #tpu.memory_space<vmem>> -> memref<1x128x128xf32, #tpu.memory_space<vmem>>
      %dma_start3A_31 = tpu.memref_squeeze %dma_start3A_30 : memref<1x128x128xf32, #tpu.memory_space<vmem>> -> memref<128x128xf32, #tpu.memory_space<vmem>>
      %dma_start3A_32 = arith.constant 0 : i32
      %dma_start3A_33 = tpu.memref_slice %arg9[%add3A_14, %dma_start3A_32] : memref<10240x128xf32, #tpu.memory_space<vmem_shared>> -> memref<128x128xf32, #tpu.memory_space<vmem_shared>>
      %dma_start3A_34 = arith.constant 0 : i32
      %dma_start3A_35 = tpu.memref_slice %arg9[%add3A_14, %dma_start3A_34] : memref<10240x128xf32, #tpu.memory_space<vmem_shared>> -> memref<128x128xf32, #tpu.memory_space<vmem_shared>>
      %dma_start3A_36 = arith.constant 0 : i32
      %dma_start3A_37 = arith.constant 0 : i32
      %dma_start3A_38 = tpu.memref_slice %arg13[%run_scoped3A_15, %dma_start3A_36, %dma_start3A_37] : memref<2x128x128xf32, #tpu.memory_space<vmem>> -> memref<1x128x128xf32, #tpu.memory_space<vmem>>
      %dma_start3A_39 = tpu.memref_squeeze %dma_start3A_38 : memref<1x128x128xf32, #tpu.memory_space<vmem>> -> memref<128x128xf32, #tpu.memory_space<vmem>>
      tpu.enqueue_dma source(%dma_start3A_39 : memref<128x128xf32, #tpu.memory_space<vmem>>) target(%dma_start3A_35 : memref<128x128xf32, #tpu.memory_space<vmem_shared>>) target_semaphore(%run_scoped3A_28 : memref<!tpu.dma_semaphore, #tpu.memory_space<semaphore_mem>>)
      %dma_wait3A = arith.constant 0 : i32
      %dma_wait3A_40 = arith.constant 0 : i32
      %dma_wait3A_41 = tpu.memref_slice %arg13[%run_scoped3A_15, %dma_wait3A, %dma_wait3A_40] : memref<2x128x128xf32, #tpu.memory_space<vmem>> -> memref<1x128x128xf32, #tpu.memory_space<vmem>>
      %dma_wait3A_42 = tpu.memref_squeeze %dma_wait3A_41 : memref<1x128x128xf32, #tpu.memory_space<vmem>> -> memref<128x128xf32, #tpu.memory_space<vmem>>
      %dma_wait3A_43 = arith.constant 0 : i32
      %dma_wait3A_44 = tpu.memref_slice %arg9[%add3A_14, %dma_wait3A_43] : memref<10240x128xf32, #tpu.memory_space<vmem_shared>> -> memref<128x128xf32, #tpu.memory_space<vmem_shared>>
      %dma_wait3A_45 = arith.constant 0 : i32
      %dma_wait3A_46 = tpu.memref_slice %arg9[%add3A_14, %dma_wait3A_45] : memref<10240x128xf32, #tpu.memory_space<vmem_shared>> -> memref<128x128xf32, #tpu.memory_space<vmem_shared>>
      %dma_wait3A_47 = arith.constant 0 : i32
      %dma_wait3A_48 = arith.constant 0 : i32
      %dma_wait3A_49 = tpu.memref_slice %arg13[%run_scoped3A_15, %dma_wait3A_47, %dma_wait3A_48] : memref<2x128x128xf32, #tpu.memory_space<vmem>> -> memref<1x128x128xf32, #tpu.memory_space<vmem>>
      %dma_wait3A_50 = tpu.memref_squeeze %dma_wait3A_49 : memref<1x128x128xf32, #tpu.memory_space<vmem>> -> memref<128x128xf32, #tpu.memory_space<vmem>>
      tpu.wait_dma2 semaphore(%run_scoped3A_28 : memref<!tpu.dma_semaphore, #tpu.memory_space<semaphore_mem>>) src(%dma_wait3A_50 : memref<128x128xf32, #tpu.memory_space<vmem>>) dst(%dma_wait3A_46 : memref<128x128xf32, #tpu.memory_space<vmem_shared>>)
      tpu.yield
    }) : () -> ()
    %add3A_16 = arith.constant 512 : i32
    %add3A_17 = arith.addi %mul3A_5, %add3A_16 : i32
    %run_scoped3A_18 = arith.constant 0 : i32
    "tpu.region"() ({
      %run_scoped3A_28 = tpu.sem_alloc : memref<!tpu.dma_semaphore, #tpu.memory_space<semaphore_mem>>
      %dma_start3A = arith.constant 0 : i32
      %dma_start3A_29 = arith.constant 0 : i32
      %dma_start3A_30 = tpu.memref_slice %arg13[%run_scoped3A_18, %dma_start3A, %dma_start3A_29] : memref<2x128x128xf32, #tpu.memory_space<vmem>> -> memref<1x128x128xf32, #tpu.memory_space<vmem>>
      %dma_start3A_31 = tpu.memref_squeeze %dma_start3A_30 : memref<1x128x128xf32, #tpu.memory_space<vmem>> -> memref<128x128xf32, #tpu.memory_space<vmem>>
      %dma_start3A_32 = arith.constant 0 : i32
      %dma_start3A_33 = tpu.memref_slice %arg9[%add3A_17, %dma_start3A_32] : memref<10240x128xf32, #tpu.memory_space<vmem_shared>> -> memref<128x128xf32, #tpu.memory_space<vmem_shared>>
      %dma_start3A_34 = arith.constant 0 : i32
      %dma_start3A_35 = tpu.memref_slice %arg9[%add3A_17, %dma_start3A_34] : memref<10240x128xf32, #tpu.memory_space<vmem_shared>> -> memref<128x128xf32, #tpu.memory_space<vmem_shared>>
      %dma_start3A_36 = arith.constant 0 : i32
      %dma_start3A_37 = arith.constant 0 : i32
      %dma_start3A_38 = tpu.memref_slice %arg13[%run_scoped3A_18, %dma_start3A_36, %dma_start3A_37] : memref<2x128x128xf32, #tpu.memory_space<vmem>> -> memref<1x128x128xf32, #tpu.memory_space<vmem>>
      %dma_start3A_39 = tpu.memref_squeeze %dma_start3A_38 : memref<1x128x128xf32, #tpu.memory_space<vmem>> -> memref<128x128xf32, #tpu.memory_space<vmem>>
      tpu.enqueue_dma source(%dma_start3A_39 : memref<128x128xf32, #tpu.memory_space<vmem>>) target(%dma_start3A_35 : memref<128x128xf32, #tpu.memory_space<vmem_shared>>) target_semaphore(%run_scoped3A_28 : memref<!tpu.dma_semaphore, #tpu.memory_space<semaphore_mem>>)
      %dma_wait3A = arith.constant 0 : i32
      %dma_wait3A_40 = arith.constant 0 : i32
      %dma_wait3A_41 = tpu.memref_slice %arg13[%run_scoped3A_18, %dma_wait3A, %dma_wait3A_40] : memref<2x128x128xf32, #tpu.memory_space<vmem>> -> memref<1x128x128xf32, #tpu.memory_space<vmem>>
      %dma_wait3A_42 = tpu.memref_squeeze %dma_wait3A_41 : memref<1x128x128xf32, #tpu.memory_space<vmem>> -> memref<128x128xf32, #tpu.memory_space<vmem>>
      %dma_wait3A_43 = arith.constant 0 : i32
      %dma_wait3A_44 = tpu.memref_slice %arg9[%add3A_17, %dma_wait3A_43] : memref<10240x128xf32, #tpu.memory_space<vmem_shared>> -> memref<128x128xf32, #tpu.memory_space<vmem_shared>>
      %dma_wait3A_45 = arith.constant 0 : i32
      %dma_wait3A_46 = tpu.memref_slice %arg9[%add3A_17, %dma_wait3A_45] : memref<10240x128xf32, #tpu.memory_space<vmem_shared>> -> memref<128x128xf32, #tpu.memory_space<vmem_shared>>
      %dma_wait3A_47 = arith.constant 0 : i32
      %dma_wait3A_48 = arith.constant 0 : i32
      %dma_wait3A_49 = tpu.memref_slice %arg13[%run_scoped3A_18, %dma_wait3A_47, %dma_wait3A_48] : memref<2x128x128xf32, #tpu.memory_space<vmem>> -> memref<1x128x128xf32, #tpu.memory_space<vmem>>
      %dma_wait3A_50 = tpu.memref_squeeze %dma_wait3A_49 : memref<1x128x128xf32, #tpu.memory_space<vmem>> -> memref<128x128xf32, #tpu.memory_space<vmem>>
      tpu.wait_dma2 semaphore(%run_scoped3A_28 : memref<!tpu.dma_semaphore, #tpu.memory_space<semaphore_mem>>) src(%dma_wait3A_50 : memref<128x128xf32, #tpu.memory_space<vmem>>) dst(%dma_wait3A_46 : memref<128x128xf32, #tpu.memory_space<vmem_shared>>)
      tpu.yield
    }) : () -> ()
    "tpu.region"() ({
      %run_scoped3A_28 = tpu.sem_alloc : memref<!tpu.dma_semaphore, #tpu.memory_space<semaphore_mem>>
      %dma_start3A = arith.constant 0 : i32
      %dma_start3A_29 = tpu.memref_slice %arg10[%mul3A_5, %dma_start3A] : memref<10240x8xf32, #tpu.memory_space<vmem_shared>> -> memref<640x8xf32, #tpu.memory_space<vmem_shared>>
      %dma_start3A_30 = arith.constant 0 : i32
      %dma_start3A_31 = tpu.memref_slice %arg6[%mul3A_5, %dma_start3A_30] : memref<10240x8xf32, #tpu.memory_space<hbm>> -> memref<640x8xf32, #tpu.memory_space<hbm>>
      tpu.enqueue_dma source(%dma_start3A_31 : memref<640x8xf32, #tpu.memory_space<hbm>>) target(%dma_start3A_29 : memref<640x8xf32, #tpu.memory_space<vmem_shared>>) target_semaphore(%run_scoped3A_28 : memref<!tpu.dma_semaphore, #tpu.memory_space<semaphore_mem>>)
      %dma_wait3A = arith.constant 0 : i32
      %dma_wait3A_32 = tpu.memref_slice %arg10[%mul3A_5, %dma_wait3A] : memref<10240x8xf32, #tpu.memory_space<vmem_shared>> -> memref<640x8xf32, #tpu.memory_space<vmem_shared>>
      %dma_wait3A_33 = arith.constant 0 : i32
      %dma_wait3A_34 = tpu.memref_slice %arg6[%mul3A_5, %dma_wait3A_33] : memref<10240x8xf32, #tpu.memory_space<hbm>> -> memref<640x8xf32, #tpu.memory_space<hbm>>
      tpu.wait_dma2 semaphore(%run_scoped3A_28 : memref<!tpu.dma_semaphore, #tpu.memory_space<semaphore_mem>>) src(%dma_wait3A_34 : memref<640x8xf32, #tpu.memory_space<hbm>>) dst(%dma_wait3A_32 : memref<640x8xf32, #tpu.memory_space<vmem_shared>>)
      tpu.yield
    }) : () -> ()
    %barrier3A = arith.constant 0 : index
    tpu.barrier barrier_id(%barrier3A)
    %scan3A_19 = arith.constant 0 : i32
    %scan3A_20 = arith.constant 0 : i32
    %scan3A_21 = arith.constant 20 : i32
    %scan3A_22 = arith.addi %scan3A_20, %scan3A_21 : i32
    %scan3A_23 = arith.constant 1 : i32
    scf.for %scan3A_28 = %scan3A_20 to %scan3A_22 step %scan3A_23  : i32 {
      %mul3A_29 = arith.constant 160 : i32
      %mul3A_30 = arith.muli %arg1, %mul3A_29 : i32
      %mul3A_31 = arith.constant 8 : i32
      %mul3A_32 = arith.muli %scan3A_28, %mul3A_31 : i32
      %add3A_33 = arith.addi %mul3A_30, %mul3A_32 : i32
      "tpu.region"() ({
        %run_scoped3A_578 = tpu.sem_alloc : memref<!tpu.dma_semaphore, #tpu.memory_space<semaphore_mem>>
        %dma_start3A_579 = arith.constant 0 : i32
        %dma_start3A_580 = tpu.memref_slice %arg3[%arg0, %add3A_33, %dma_start3A_579] : memref<2x2560x128xi32, #tpu.memory_space<hbm>> -> memref<1x8x128xi32, #tpu.memory_space<hbm>>
        %dma_start3A_581 = tpu.memref_squeeze %dma_start3A_580 : memref<1x8x128xi32, #tpu.memory_space<hbm>> -> memref<8x128xi32, #tpu.memory_space<hbm>>
        %dma_start3A_582 = arith.constant 0 : i32
        %dma_start3A_583 = tpu.memref_slice %arg3[%arg0, %add3A_33, %dma_start3A_582] : memref<2x2560x128xi32, #tpu.memory_space<hbm>> -> memref<1x8x128xi32, #tpu.memory_space<hbm>>
        %dma_start3A_584 = tpu.memref_squeeze %dma_start3A_583 : memref<1x8x128xi32, #tpu.memory_space<hbm>> -> memref<8x128xi32, #tpu.memory_space<hbm>>
        tpu.enqueue_dma source(%dma_start3A_584 : memref<8x128xi32, #tpu.memory_space<hbm>>) target(%arg11 : memref<8x128xi32, #tpu.memory_space<vmem>>) target_semaphore(%run_scoped3A_578 : memref<!tpu.dma_semaphore, #tpu.memory_space<semaphore_mem>>)
        %dma_wait3A_585 = arith.constant 0 : i32
        %dma_wait3A_586 = tpu.memref_slice %arg3[%arg0, %add3A_33, %dma_wait3A_585] : memref<2x2560x128xi32, #tpu.memory_space<hbm>> -> memref<1x8x128xi32, #tpu.memory_space<hbm>>
        %dma_wait3A_587 = tpu.memref_squeeze %dma_wait3A_586 : memref<1x8x128xi32, #tpu.memory_space<hbm>> -> memref<8x128xi32, #tpu.memory_space<hbm>>
        %dma_wait3A_588 = arith.constant 0 : i32
        %dma_wait3A_589 = tpu.memref_slice %arg3[%arg0, %add3A_33, %dma_wait3A_588] : memref<2x2560x128xi32, #tpu.memory_space<hbm>> -> memref<1x8x128xi32, #tpu.memory_space<hbm>>
        %dma_wait3A_590 = tpu.memref_squeeze %dma_wait3A_589 : memref<1x8x128xi32, #tpu.memory_space<hbm>> -> memref<8x128xi32, #tpu.memory_space<hbm>>
        tpu.wait_dma2 semaphore(%run_scoped3A_578 : memref<!tpu.dma_semaphore, #tpu.memory_space<semaphore_mem>>) src(%dma_wait3A_590 : memref<8x128xi32, #tpu.memory_space<hbm>>) dst(%arg11 : memref<8x128xi32, #tpu.memory_space<vmem>>)
        tpu.yield
      }) : () -> ()
      "tpu.region"() ({
        %run_scoped3A_578 = tpu.sem_alloc : memref<!tpu.dma_semaphore, #tpu.memory_space<semaphore_mem>>
        %dma_start3A_579 = arith.constant 0 : i32
        %dma_start3A_580 = tpu.memref_slice %arg4[%arg0, %add3A_33, %dma_start3A_579] : memref<2x2560x128xi32, #tpu.memory_space<hbm>> -> memref<1x8x128xi32, #tpu.memory_space<hbm>>
        %dma_start3A_581 = tpu.memref_squeeze %dma_start3A_580 : memref<1x8x128xi32, #tpu.memory_space<hbm>> -> memref<8x128xi32, #tpu.memory_space<hbm>>
        %dma_start3A_582 = arith.constant 0 : i32
        %dma_start3A_583 = tpu.memref_slice %arg4[%arg0, %add3A_33, %dma_start3A_582] : memref<2x2560x128xi32, #tpu.memory_space<hbm>> -> memref<1x8x128xi32, #tpu.memory_space<hbm>>
        %dma_start3A_584 = tpu.memref_squeeze %dma_start3A_583 : memref<1x8x128xi32, #tpu.memory_space<hbm>> -> memref<8x128xi32, #tpu.memory_space<hbm>>
        tpu.enqueue_dma source(%dma_start3A_584 : memref<8x128xi32, #tpu.memory_space<hbm>>) target(%arg12 : memref<8x128xi32, #tpu.memory_space<vmem>>) target_semaphore(%run_scoped3A_578 : memref<!tpu.dma_semaphore, #tpu.memory_space<semaphore_mem>>)
        %dma_wait3A_585 = arith.constant 0 : i32
        %dma_wait3A_586 = tpu.memref_slice %arg4[%arg0, %add3A_33, %dma_wait3A_585] : memref<2x2560x128xi32, #tpu.memory_space<hbm>> -> memref<1x8x128xi32, #tpu.memory_space<hbm>>
        %dma_wait3A_587 = tpu.memref_squeeze %dma_wait3A_586 : memref<1x8x128xi32, #tpu.memory_space<hbm>> -> memref<8x128xi32, #tpu.memory_space<hbm>>
        %dma_wait3A_588 = arith.constant 0 : i32
        %dma_wait3A_589 = tpu.memref_slice %arg4[%arg0, %add3A_33, %dma_wait3A_588] : memref<2x2560x128xi32, #tpu.memory_space<hbm>> -> memref<1x8x128xi32, #tpu.memory_space<hbm>>
        %dma_wait3A_590 = tpu.memref_squeeze %dma_wait3A_589 : memref<1x8x128xi32, #tpu.memory_space<hbm>> -> memref<8x128xi32, #tpu.memory_space<hbm>>
        tpu.wait_dma2 semaphore(%run_scoped3A_578 : memref<!tpu.dma_semaphore, #tpu.memory_space<semaphore_mem>>) src(%dma_wait3A_590 : memref<8x128xi32, #tpu.memory_space<hbm>>) dst(%arg12 : memref<8x128xi32, #tpu.memory_space<vmem>>)
        tpu.yield
      }) : () -> ()
      %mul3A_34 = arith.constant 128 : i32
      %mul3A_35 = arith.muli %add3A_33, %mul3A_34 : i32
      "tpu.region"() ({
        %run_scoped3A_578 = tpu.sem_alloc : memref<!tpu.dma_semaphore, #tpu.memory_space<semaphore_mem>>
        %dma_start3A_579 = arith.constant 0 : i32
        %dma_start3A_580 = tpu.memref_slice %arg5[%mul3A_35, %dma_start3A_579] : memref<327680x8xf32, #tpu.memory_space<hbm>> -> memref<1024x8xf32, #tpu.memory_space<hbm>>
        %dma_start3A_581 = arith.constant 0 : i32
        %dma_start3A_582 = tpu.memref_slice %arg5[%mul3A_35, %dma_start3A_581] : memref<327680x8xf32, #tpu.memory_space<hbm>> -> memref<1024x8xf32, #tpu.memory_space<hbm>>
        tpu.enqueue_dma source(%dma_start3A_582 : memref<1024x8xf32, #tpu.memory_space<hbm>>) target(%arg14 : memref<1024x8xf32, #tpu.memory_space<vmem>>) target_semaphore(%run_scoped3A_578 : memref<!tpu.dma_semaphore, #tpu.memory_space<semaphore_mem>>)
        %dma_wait3A_583 = arith.constant 0 : i32
        %dma_wait3A_584 = tpu.memref_slice %arg5[%mul3A_35, %dma_wait3A_583] : memref<327680x8xf32, #tpu.memory_space<hbm>> -> memref<1024x8xf32, #tpu.memory_space<hbm>>
        %dma_wait3A_585 = arith.constant 0 : i32
        %dma_wait3A_586 = tpu.memref_slice %arg5[%mul3A_35, %dma_wait3A_585] : memref<327680x8xf32, #tpu.memory_space<hbm>> -> memref<1024x8xf32, #tpu.memory_space<hbm>>
        tpu.wait_dma2 semaphore(%run_scoped3A_578 : memref<!tpu.dma_semaphore, #tpu.memory_space<semaphore_mem>>) src(%dma_wait3A_586 : memref<1024x8xf32, #tpu.memory_space<hbm>>) dst(%arg14 : memref<1024x8xf32, #tpu.memory_space<vmem>>)
        tpu.yield
      }) : () -> ()
      %dma_start3A = arith.constant 0 : i32
      %dma_start3A_36 = arith.constant 0 : i32
      %dma_start3A_37 = arith.constant 0 : i32
      %dma_start3A_38 = arith.constant 0 : i32
      %dma_start3A_39 = tpu.memref_slice %arg13[%dma_start3A_36, %dma_start3A_37, %dma_start3A_38] : memref<2x128x128xf32, #tpu.memory_space<vmem>> -> memref<1x128x128xf32, #tpu.memory_space<vmem>>
      %dma_start3A_40 = tpu.memref_squeeze %dma_start3A_39 : memref<1x128x128xf32, #tpu.memory_space<vmem>> -> memref<128x128xf32, #tpu.memory_space<vmem>>
      %dma_start3A_41 = arith.constant 0 : i32
      %dma_start3A_42 = tpu.memref_slice %arg11[%dma_start3A, %dma_start3A_41] : memref<8x128xi32, #tpu.memory_space<vmem>> -> memref<1x128xi32, #tpu.memory_space<vmem>>
      %dma_start3A_43 = tpu.memref_squeeze %dma_start3A_42 : memref<1x128xi32, #tpu.memory_space<vmem>> -> memref<128xi32, #tpu.memory_space<vmem>>
      %dma_start3A_44 = arith.constant 0 : i32
      %dma_start3A_45 = arith.constant 0 : i32
      %dma_start3A_46 = tpu.memref_slice %arg2[%dma_start3A_44, %dma_start3A_45] : memref<10000x128xf32, #tpu.memory_space<hbm>> -> memref<10000x128xf32, #tpu.memory_space<hbm>>
      tpu.enqueue_indirect_dma source(%dma_start3A_46 : memref<10000x128xf32, #tpu.memory_space<hbm>>) target(%dma_start3A_40 : memref<128x128xf32, #tpu.memory_space<vmem>>) offsets(%dma_start3A_43 : memref<128xi32, #tpu.memory_space<vmem>>) semaphore(%arg15 : memref<!tpu.dma_semaphore, #tpu.memory_space<semaphore_mem>>)
      %dma_start3A_47 = arith.constant 1 : i32
      %dma_start3A_48 = arith.constant 1 : i32
      %dma_start3A_49 = arith.constant 0 : i32
      %dma_start3A_50 = arith.constant 0 : i32
      %dma_start3A_51 = tpu.memref_slice %arg13[%dma_start3A_48, %dma_start3A_49, %dma_start3A_50] : memref<2x128x128xf32, #tpu.memory_space<vmem>> -> memref<1x128x128xf32, #tpu.memory_space<vmem>>
      %dma_start3A_52 = tpu.memref_squeeze %dma_start3A_51 : memref<1x128x128xf32, #tpu.memory_space<vmem>> -> memref<128x128xf32, #tpu.memory_space<vmem>>
      %dma_start3A_53 = arith.constant 0 : i32
      %dma_start3A_54 = tpu.memref_slice %arg11[%dma_start3A_47, %dma_start3A_53] : memref<8x128xi32, #tpu.memory_space<vmem>> -> memref<1x128xi32, #tpu.memory_space<vmem>>
      %dma_start3A_55 = tpu.memref_squeeze %dma_start3A_54 : memref<1x128xi32, #tpu.memory_space<vmem>> -> memref<128xi32, #tpu.memory_space<vmem>>
      %dma_start3A_56 = arith.constant 0 : i32
      %dma_start3A_57 = arith.constant 0 : i32
      %dma_start3A_58 = tpu.memref_slice %arg2[%dma_start3A_56, %dma_start3A_57] : memref<10000x128xf32, #tpu.memory_space<hbm>> -> memref<10000x128xf32, #tpu.memory_space<hbm>>
      tpu.enqueue_indirect_dma source(%dma_start3A_58 : memref<10000x128xf32, #tpu.memory_space<hbm>>) target(%dma_start3A_52 : memref<128x128xf32, #tpu.memory_space<vmem>>) offsets(%dma_start3A_55 : memref<128xi32, #tpu.memory_space<vmem>>) semaphore(%arg16 : memref<!tpu.dma_semaphore, #tpu.memory_space<semaphore_mem>>)
      %dma_wait3A = arith.constant 0 : i32
      %dma_wait3A_59 = arith.constant 0 : i32
      %dma_wait3A_60 = arith.constant 0 : i32
      %dma_wait3A_61 = arith.constant 0 : i32
      %dma_wait3A_62 = tpu.memref_slice %arg13[%dma_wait3A_59, %dma_wait3A_60, %dma_wait3A_61] : memref<2x128x128xf32, #tpu.memory_space<vmem>> -> memref<1x128x128xf32, #tpu.memory_space<vmem>>
      %dma_wait3A_63 = tpu.memref_squeeze %dma_wait3A_62 : memref<1x128x128xf32, #tpu.memory_space<vmem>> -> memref<128x128xf32, #tpu.memory_space<vmem>>
      %dma_wait3A_64 = arith.constant 0 : i32
      %dma_wait3A_65 = tpu.memref_slice %arg11[%dma_wait3A, %dma_wait3A_64] : memref<8x128xi32, #tpu.memory_space<vmem>> -> memref<1x128xi32, #tpu.memory_space<vmem>>
      %dma_wait3A_66 = tpu.memref_squeeze %dma_wait3A_65 : memref<1x128xi32, #tpu.memory_space<vmem>> -> memref<128xi32, #tpu.memory_space<vmem>>
      %dma_wait3A_67 = arith.constant 0 : i32
      %dma_wait3A_68 = arith.constant 0 : i32
      %dma_wait3A_69 = tpu.memref_slice %arg2[%dma_wait3A_67, %dma_wait3A_68] : memref<10000x128xf32, #tpu.memory_space<hbm>> -> memref<10000x128xf32, #tpu.memory_space<hbm>>
      tpu.wait_indirect_dma semaphore(%arg15 : memref<!tpu.dma_semaphore, #tpu.memory_space<semaphore_mem>>) src(%dma_wait3A_69 : memref<10000x128xf32, #tpu.memory_space<hbm>>) dst(%dma_wait3A_63 : memref<128x128xf32, #tpu.memory_space<vmem>>)
      %dma_start3A_70 = arith.constant 0 : i32
      %dma_start3A_71 = arith.constant 0 : i32
      %dma_start3A_72 = arith.constant 0 : i32
      %dma_start3A_73 = arith.constant 0 : i32
      %dma_start3A_74 = tpu.memref_slice %arg13[%dma_start3A_70, %dma_start3A_72, %dma_start3A_73] : memref<2x128x128xf32, #tpu.memory_space<vmem>> -> memref<1x128x128xf32, #tpu.memory_space<vmem>>
      %dma_start3A_75 = tpu.memref_squeeze %dma_start3A_74 : memref<1x128x128xf32, #tpu.memory_space<vmem>> -> memref<128x128xf32, #tpu.memory_space<vmem>>
      %dma_start3A_76 = arith.constant 0 : i32
      %dma_start3A_77 = tpu.memref_slice %arg12[%dma_start3A_71, %dma_start3A_76] : memref<8x128xi32, #tpu.memory_space<vmem>> -> memref<1x128xi32, #tpu.memory_space<vmem>>
      %dma_start3A_78 = tpu.memref_squeeze %dma_start3A_77 : memref<1x128xi32, #tpu.memory_space<vmem>> -> memref<128xi32, #tpu.memory_space<vmem>>
      %dma_start3A_79 = arith.constant 0 : i32
      %dma_start3A_80 = arith.constant 0 : i32
      %dma_start3A_81 = tpu.memref_slice %arg9[%dma_start3A_79, %dma_start3A_80] : memref<10240x128xf32, #tpu.memory_space<vmem_shared>> -> memref<10240x128xf32, #tpu.memory_space<vmem_shared>>
      tpu.enqueue_indirect_dma source(%dma_start3A_75 : memref<128x128xf32, #tpu.memory_space<vmem>>) target(%dma_start3A_81 : memref<10240x128xf32, #tpu.memory_space<vmem_shared>>) offsets(%dma_start3A_78 : memref<128xi32, #tpu.memory_space<vmem>>) semaphore(%arg17 : memref<!tpu.dma_semaphore, #tpu.memory_space<semaphore_mem>>) {add = true}
      %dma_start3A_82 = arith.constant 0 : i32
      %dma_start3A_83 = arith.constant 0 : i32
      %dma_start3A_84 = arith.constant 0 : i32
      %dma_start3A_85 = tpu.memref_slice %arg14[%dma_start3A_83, %dma_start3A_84] : memref<1024x8xf32, #tpu.memory_space<vmem>> -> memref<128x8xf32, #tpu.memory_space<vmem>>
      %dma_start3A_86 = arith.constant 0 : i32
      %dma_start3A_87 = tpu.memref_slice %arg12[%dma_start3A_82, %dma_start3A_86] : memref<8x128xi32, #tpu.memory_space<vmem>> -> memref<1x128xi32, #tpu.memory_space<vmem>>
      %dma_start3A_88 = tpu.memref_squeeze %dma_start3A_87 : memref<1x128xi32, #tpu.memory_space<vmem>> -> memref<128xi32, #tpu.memory_space<vmem>>
      %dma_start3A_89 = arith.constant 0 : i32
      %dma_start3A_90 = arith.constant 0 : i32
      %dma_start3A_91 = tpu.memref_slice %arg10[%dma_start3A_89, %dma_start3A_90] : memref<10240x8xf32, #tpu.memory_space<vmem_shared>> -> memref<10240x8xf32, #tpu.memory_space<vmem_shared>>
      tpu.enqueue_indirect_dma source(%dma_start3A_85 : memref<128x8xf32, #tpu.memory_space<vmem>>) target(%dma_start3A_91 : memref<10240x8xf32, #tpu.memory_space<vmem_shared>>) offsets(%dma_start3A_88 : memref<128xi32, #tpu.memory_space<vmem>>) semaphore(%arg19 : memref<!tpu.dma_semaphore, #tpu.memory_space<semaphore_mem>>) {add = true}
      %dma_wait3A_92 = arith.constant 0 : i32
      %dma_wait3A_93 = arith.constant 0 : i32
      %dma_wait3A_94 = arith.constant 0 : i32
      %dma_wait3A_95 = arith.constant 0 : i32
      %dma_wait3A_96 = tpu.memref_slice %arg13[%dma_wait3A_92, %dma_wait3A_94, %dma_wait3A_95] : memref<2x128x128xf32, #tpu.memory_space<vmem>> -> memref<1x128x128xf32, #tpu.memory_space<vmem>>
      %dma_wait3A_97 = tpu.memref_squeeze %dma_wait3A_96 : memref<1x128x128xf32, #tpu.memory_space<vmem>> -> memref<128x128xf32, #tpu.memory_space<vmem>>
      %dma_wait3A_98 = arith.constant 0 : i32
      %dma_wait3A_99 = tpu.memref_slice %arg12[%dma_wait3A_93, %dma_wait3A_98] : memref<8x128xi32, #tpu.memory_space<vmem>> -> memref<1x128xi32, #tpu.memory_space<vmem>>
      %dma_wait3A_100 = tpu.memref_squeeze %dma_wait3A_99 : memref<1x128xi32, #tpu.memory_space<vmem>> -> memref<128xi32, #tpu.memory_space<vmem>>
      %dma_wait3A_101 = arith.constant 0 : i32
      %dma_wait3A_102 = arith.constant 0 : i32
      %dma_wait3A_103 = tpu.memref_slice %arg9[%dma_wait3A_101, %dma_wait3A_102] : memref<10240x128xf32, #tpu.memory_space<vmem_shared>> -> memref<10240x128xf32, #tpu.memory_space<vmem_shared>>
      tpu.wait_indirect_dma semaphore(%arg17 : memref<!tpu.dma_semaphore, #tpu.memory_space<semaphore_mem>>) src(%dma_wait3A_97 : memref<128x128xf32, #tpu.memory_space<vmem>>) dst(%dma_wait3A_103 : memref<10240x128xf32, #tpu.memory_space<vmem_shared>>)
      %dma_start3A_104 = arith.constant 2 : i32
      %dma_start3A_105 = arith.constant 0 : i32
      %dma_start3A_106 = arith.constant 0 : i32
      %dma_start3A_107 = arith.constant 0 : i32
      %dma_start3A_108 = tpu.memref_slice %arg13[%dma_start3A_105, %dma_start3A_106, %dma_start3A_107] : memref<2x128x128xf32, #tpu.memory_space<vmem>> -> memref<1x128x128xf32, #tpu.memory_space<vmem>>
      %dma_start3A_109 = tpu.memref_squeeze %dma_start3A_108 : memref<1x128x128xf32, #tpu.memory_space<vmem>> -> memref<128x128xf32, #tpu.memory_space<vmem>>
      %dma_start3A_110 = arith.constant 0 : i32
      %dma_start3A_111 = tpu.memref_slice %arg11[%dma_start3A_104, %dma_start3A_110] : memref<8x128xi32, #tpu.memory_space<vmem>> -> memref<1x128xi32, #tpu.memory_space<vmem>>
      %dma_start3A_112 = tpu.memref_squeeze %dma_start3A_111 : memref<1x128xi32, #tpu.memory_space<vmem>> -> memref<128xi32, #tpu.memory_space<vmem>>
      %dma_start3A_113 = arith.constant 0 : i32
      %dma_start3A_114 = arith.constant 0 : i32
      %dma_start3A_115 = tpu.memref_slice %arg2[%dma_start3A_113, %dma_start3A_114] : memref<10000x128xf32, #tpu.memory_space<hbm>> -> memref<10000x128xf32, #tpu.memory_space<hbm>>
      tpu.enqueue_indirect_dma source(%dma_start3A_115 : memref<10000x128xf32, #tpu.memory_space<hbm>>) target(%dma_start3A_109 : memref<128x128xf32, #tpu.memory_space<vmem>>) offsets(%dma_start3A_112 : memref<128xi32, #tpu.memory_space<vmem>>) semaphore(%arg15 : memref<!tpu.dma_semaphore, #tpu.memory_space<semaphore_mem>>)
      %dma_wait3A_116 = arith.constant 1 : i32
      %dma_wait3A_117 = arith.constant 1 : i32
      %dma_wait3A_118 = arith.constant 0 : i32
      %dma_wait3A_119 = arith.constant 0 : i32
      %dma_wait3A_120 = tpu.memref_slice %arg13[%dma_wait3A_117, %dma_wait3A_118, %dma_wait3A_119] : memref<2x128x128xf32, #tpu.memory_space<vmem>> -> memref<1x128x128xf32, #tpu.memory_space<vmem>>
      %dma_wait3A_121 = tpu.memref_squeeze %dma_wait3A_120 : memref<1x128x128xf32, #tpu.memory_space<vmem>> -> memref<128x128xf32, #tpu.memory_space<vmem>>
      %dma_wait3A_122 = arith.constant 0 : i32
      %dma_wait3A_123 = tpu.memref_slice %arg11[%dma_wait3A_116, %dma_wait3A_122] : memref<8x128xi32, #tpu.memory_space<vmem>> -> memref<1x128xi32, #tpu.memory_space<vmem>>
      %dma_wait3A_124 = tpu.memref_squeeze %dma_wait3A_123 : memref<1x128xi32, #tpu.memory_space<vmem>> -> memref<128xi32, #tpu.memory_space<vmem>>
      %dma_wait3A_125 = arith.constant 0 : i32
      %dma_wait3A_126 = arith.constant 0 : i32
      %dma_wait3A_127 = tpu.memref_slice %arg2[%dma_wait3A_125, %dma_wait3A_126] : memref<10000x128xf32, #tpu.memory_space<hbm>> -> memref<10000x128xf32, #tpu.memory_space<hbm>>
      tpu.wait_indirect_dma semaphore(%arg16 : memref<!tpu.dma_semaphore, #tpu.memory_space<semaphore_mem>>) src(%dma_wait3A_127 : memref<10000x128xf32, #tpu.memory_space<hbm>>) dst(%dma_wait3A_121 : memref<128x128xf32, #tpu.memory_space<vmem>>)
      %dma_start3A_128 = arith.constant 1 : i32
      %dma_start3A_129 = arith.constant 1 : i32
      %dma_start3A_130 = arith.constant 0 : i32
      %dma_start3A_131 = arith.constant 0 : i32
      %dma_start3A_132 = tpu.memref_slice %arg13[%dma_start3A_128, %dma_start3A_130, %dma_start3A_131] : memref<2x128x128xf32, #tpu.memory_space<vmem>> -> memref<1x128x128xf32, #tpu.memory_space<vmem>>
      %dma_start3A_133 = tpu.memref_squeeze %dma_start3A_132 : memref<1x128x128xf32, #tpu.memory_space<vmem>> -> memref<128x128xf32, #tpu.memory_space<vmem>>
      %dma_start3A_134 = arith.constant 0 : i32
      %dma_start3A_135 = tpu.memref_slice %arg12[%dma_start3A_129, %dma_start3A_134] : memref<8x128xi32, #tpu.memory_space<vmem>> -> memref<1x128xi32, #tpu.memory_space<vmem>>
      %dma_start3A_136 = tpu.memref_squeeze %dma_start3A_135 : memref<1x128xi32, #tpu.memory_space<vmem>> -> memref<128xi32, #tpu.memory_space<vmem>>
      %dma_start3A_137 = arith.constant 0 : i32
      %dma_start3A_138 = arith.constant 0 : i32
      %dma_start3A_139 = tpu.memref_slice %arg9[%dma_start3A_137, %dma_start3A_138] : memref<10240x128xf32, #tpu.memory_space<vmem_shared>> -> memref<10240x128xf32, #tpu.memory_space<vmem_shared>>
      tpu.enqueue_indirect_dma source(%dma_start3A_133 : memref<128x128xf32, #tpu.memory_space<vmem>>) target(%dma_start3A_139 : memref<10240x128xf32, #tpu.memory_space<vmem_shared>>) offsets(%dma_start3A_136 : memref<128xi32, #tpu.memory_space<vmem>>) semaphore(%arg18 : memref<!tpu.dma_semaphore, #tpu.memory_space<semaphore_mem>>) {add = true}
      %dma_start3A_140 = arith.constant 1 : i32
      %dma_start3A_141 = arith.constant 128 : i32
      %dma_start3A_142 = arith.constant 0 : i32
      %dma_start3A_143 = tpu.memref_slice %arg14[%dma_start3A_141, %dma_start3A_142] : memref<1024x8xf32, #tpu.memory_space<vmem>> -> memref<128x8xf32, #tpu.memory_space<vmem>>
      %dma_start3A_144 = arith.constant 0 : i32
      %dma_start3A_145 = tpu.memref_slice %arg12[%dma_start3A_140, %dma_start3A_144] : memref<8x128xi32, #tpu.memory_space<vmem>> -> memref<1x128xi32, #tpu.memory_space<vmem>>
      %dma_start3A_146 = tpu.memref_squeeze %dma_start3A_145 : memref<1x128xi32, #tpu.memory_space<vmem>> -> memref<128xi32, #tpu.memory_space<vmem>>
      %dma_start3A_147 = arith.constant 0 : i32
      %dma_start3A_148 = arith.constant 0 : i32
      %dma_start3A_149 = tpu.memref_slice %arg10[%dma_start3A_147, %dma_start3A_148] : memref<10240x8xf32, #tpu.memory_space<vmem_shared>> -> memref<10240x8xf32, #tpu.memory_space<vmem_shared>>
      tpu.enqueue_indirect_dma source(%dma_start3A_143 : memref<128x8xf32, #tpu.memory_space<vmem>>) target(%dma_start3A_149 : memref<10240x8xf32, #tpu.memory_space<vmem_shared>>) offsets(%dma_start3A_146 : memref<128xi32, #tpu.memory_space<vmem>>) semaphore(%arg19 : memref<!tpu.dma_semaphore, #tpu.memory_space<semaphore_mem>>) {add = true}
      %dma_wait3A_150 = arith.constant 1 : i32
      %dma_wait3A_151 = arith.constant 1 : i32
      %dma_wait3A_152 = arith.constant 0 : i32
      %dma_wait3A_153 = arith.constant 0 : i32
      %dma_wait3A_154 = tpu.memref_slice %arg13[%dma_wait3A_150, %dma_wait3A_152, %dma_wait3A_153] : memref<2x128x128xf32, #tpu.memory_space<vmem>> -> memref<1x128x128xf32, #tpu.memory_space<vmem>>
      %dma_wait3A_155 = tpu.memref_squeeze %dma_wait3A_154 : memref<1x128x128xf32, #tpu.memory_space<vmem>> -> memref<128x128xf32, #tpu.memory_space<vmem>>
      %dma_wait3A_156 = arith.constant 0 : i32
      %dma_wait3A_157 = tpu.memref_slice %arg12[%dma_wait3A_151, %dma_wait3A_156] : memref<8x128xi32, #tpu.memory_space<vmem>> -> memref<1x128xi32, #tpu.memory_space<vmem>>
      %dma_wait3A_158 = tpu.memref_squeeze %dma_wait3A_157 : memref<1x128xi32, #tpu.memory_space<vmem>> -> memref<128xi32, #tpu.memory_space<vmem>>
      %dma_wait3A_159 = arith.constant 0 : i32
      %dma_wait3A_160 = arith.constant 0 : i32
      %dma_wait3A_161 = tpu.memref_slice %arg9[%dma_wait3A_159, %dma_wait3A_160] : memref<10240x128xf32, #tpu.memory_space<vmem_shared>> -> memref<10240x128xf32, #tpu.memory_space<vmem_shared>>
      tpu.wait_indirect_dma semaphore(%arg18 : memref<!tpu.dma_semaphore, #tpu.memory_space<semaphore_mem>>) src(%dma_wait3A_155 : memref<128x128xf32, #tpu.memory_space<vmem>>) dst(%dma_wait3A_161 : memref<10240x128xf32, #tpu.memory_space<vmem_shared>>)
      %dma_start3A_162 = arith.constant 3 : i32
      %dma_start3A_163 = arith.constant 1 : i32
      %dma_start3A_164 = arith.constant 0 : i32
      %dma_start3A_165 = arith.constant 0 : i32
      %dma_start3A_166 = tpu.memref_slice %arg13[%dma_start3A_163, %dma_start3A_164, %dma_start3A_165] : memref<2x128x128xf32, #tpu.memory_space<vmem>> -> memref<1x128x128xf32, #tpu.memory_space<vmem>>
      %dma_start3A_167 = tpu.memref_squeeze %dma_start3A_166 : memref<1x128x128xf32, #tpu.memory_space<vmem>> -> memref<128x128xf32, #tpu.memory_space<vmem>>
      %dma_start3A_168 = arith.constant 0 : i32
      %dma_start3A_169 = tpu.memref_slice %arg11[%dma_start3A_162, %dma_start3A_168] : memref<8x128xi32, #tpu.memory_space<vmem>> -> memref<1x128xi32, #tpu.memory_space<vmem>>
      %dma_start3A_170 = tpu.memref_squeeze %dma_start3A_169 : memref<1x128xi32, #tpu.memory_space<vmem>> -> memref<128xi32, #tpu.memory_space<vmem>>
      %dma_start3A_171 = arith.constant 0 : i32
      %dma_start3A_172 = arith.constant 0 : i32
      %dma_start3A_173 = tpu.memref_slice %arg2[%dma_start3A_171, %dma_start3A_172] : memref<10000x128xf32, #tpu.memory_space<hbm>> -> memref<10000x128xf32, #tpu.memory_space<hbm>>
      tpu.enqueue_indirect_dma source(%dma_start3A_173 : memref<10000x128xf32, #tpu.memory_space<hbm>>) target(%dma_start3A_167 : memref<128x128xf32, #tpu.memory_space<vmem>>) offsets(%dma_start3A_170 : memref<128xi32, #tpu.memory_space<vmem>>) semaphore(%arg16 : memref<!tpu.dma_semaphore, #tpu.memory_space<semaphore_mem>>)
      %dma_wait3A_174 = arith.constant 2 : i32
      %dma_wait3A_175 = arith.constant 0 : i32
      %dma_wait3A_176 = arith.constant 0 : i32
      %dma_wait3A_177 = arith.constant 0 : i32
      %dma_wait3A_178 = tpu.memref_slice %arg13[%dma_wait3A_175, %dma_wait3A_176, %dma_wait3A_177] : memref<2x128x128xf32, #tpu.memory_space<vmem>> -> memref<1x128x128xf32, #tpu.memory_space<vmem>>
      %dma_wait3A_179 = tpu.memref_squeeze %dma_wait3A_178 : memref<1x128x128xf32, #tpu.memory_space<vmem>> -> memref<128x128xf32, #tpu.memory_space<vmem>>
      %dma_wait3A_180 = arith.constant 0 : i32
      %dma_wait3A_181 = tpu.memref_slice %arg11[%dma_wait3A_174, %dma_wait3A_180] : memref<8x128xi32, #tpu.memory_space<vmem>> -> memref<1x128xi32, #tpu.memory_space<vmem>>
      %dma_wait3A_182 = tpu.memref_squeeze %dma_wait3A_181 : memref<1x128xi32, #tpu.memory_space<vmem>> -> memref<128xi32, #tpu.memory_space<vmem>>
      %dma_wait3A_183 = arith.constant 0 : i32
      %dma_wait3A_184 = arith.constant 0 : i32
      %dma_wait3A_185 = tpu.memref_slice %arg2[%dma_wait3A_183, %dma_wait3A_184] : memref<10000x128xf32, #tpu.memory_space<hbm>> -> memref<10000x128xf32, #tpu.memory_space<hbm>>
      tpu.wait_indirect_dma semaphore(%arg15 : memref<!tpu.dma_semaphore, #tpu.memory_space<semaphore_mem>>) src(%dma_wait3A_185 : memref<10000x128xf32, #tpu.memory_space<hbm>>) dst(%dma_wait3A_179 : memref<128x128xf32, #tpu.memory_space<vmem>>)
      %dma_start3A_186 = arith.constant 0 : i32
      %dma_start3A_187 = arith.constant 2 : i32
      %dma_start3A_188 = arith.constant 0 : i32
      %dma_start3A_189 = arith.constant 0 : i32
      %dma_start3A_190 = tpu.memref_slice %arg13[%dma_start3A_186, %dma_start3A_188, %dma_start3A_189] : memref<2x128x128xf32, #tpu.memory_space<vmem>> -> memref<1x128x128xf32, #tpu.memory_space<vmem>>
      %dma_start3A_191 = tpu.memref_squeeze %dma_start3A_190 : memref<1x128x128xf32, #tpu.memory_space<vmem>> -> memref<128x128xf32, #tpu.memory_space<vmem>>
      %dma_start3A_192 = arith.constant 0 : i32
      %dma_start3A_193 = tpu.memref_slice %arg12[%dma_start3A_187, %dma_start3A_192] : memref<8x128xi32, #tpu.memory_space<vmem>> -> memref<1x128xi32, #tpu.memory_space<vmem>>
      %dma_start3A_194 = tpu.memref_squeeze %dma_start3A_193 : memref<1x128xi32, #tpu.memory_space<vmem>> -> memref<128xi32, #tpu.memory_space<vmem>>
      %dma_start3A_195 = arith.constant 0 : i32
      %dma_start3A_196 = arith.constant 0 : i32
      %dma_start3A_197 = tpu.memref_slice %arg9[%dma_start3A_195, %dma_start3A_196] : memref<10240x128xf32, #tpu.memory_space<vmem_shared>> -> memref<10240x128xf32, #tpu.memory_space<vmem_shared>>
      tpu.enqueue_indirect_dma source(%dma_start3A_191 : memref<128x128xf32, #tpu.memory_space<vmem>>) target(%dma_start3A_197 : memref<10240x128xf32, #tpu.memory_space<vmem_shared>>) offsets(%dma_start3A_194 : memref<128xi32, #tpu.memory_space<vmem>>) semaphore(%arg17 : memref<!tpu.dma_semaphore, #tpu.memory_space<semaphore_mem>>) {add = true}
      %dma_start3A_198 = arith.constant 2 : i32
      %dma_start3A_199 = arith.constant 256 : i32
      %dma_start3A_200 = arith.constant 0 : i32
      %dma_start3A_201 = tpu.memref_slice %arg14[%dma_start3A_199, %dma_start3A_200] : memref<1024x8xf32, #tpu.memory_space<vmem>> -> memref<128x8xf32, #tpu.memory_space<vmem>>
      %dma_start3A_202 = arith.constant 0 : i32
      %dma_start3A_203 = tpu.memref_slice %arg12[%dma_start3A_198, %dma_start3A_202] : memref<8x128xi32, #tpu.memory_space<vmem>> -> memref<1x128xi32, #tpu.memory_space<vmem>>
      %dma_start3A_204 = tpu.memref_squeeze %dma_start3A_203 : memref<1x128xi32, #tpu.memory_space<vmem>> -> memref<128xi32, #tpu.memory_space<vmem>>
      %dma_start3A_205 = arith.constant 0 : i32
      %dma_start3A_206 = arith.constant 0 : i32
      %dma_start3A_207 = tpu.memref_slice %arg10[%dma_start3A_205, %dma_start3A_206] : memref<10240x8xf32, #tpu.memory_space<vmem_shared>> -> memref<10240x8xf32, #tpu.memory_space<vmem_shared>>
      tpu.enqueue_indirect_dma source(%dma_start3A_201 : memref<128x8xf32, #tpu.memory_space<vmem>>) target(%dma_start3A_207 : memref<10240x8xf32, #tpu.memory_space<vmem_shared>>) offsets(%dma_start3A_204 : memref<128xi32, #tpu.memory_space<vmem>>) semaphore(%arg19 : memref<!tpu.dma_semaphore, #tpu.memory_space<semaphore_mem>>) {add = true}
      %dma_wait3A_208 = arith.constant 0 : i32
      %dma_wait3A_209 = arith.constant 2 : i32
      %dma_wait3A_210 = arith.constant 0 : i32
      %dma_wait3A_211 = arith.constant 0 : i32
      %dma_wait3A_212 = tpu.memref_slice %arg13[%dma_wait3A_208, %dma_wait3A_210, %dma_wait3A_211] : memref<2x128x128xf32, #tpu.memory_space<vmem>> -> memref<1x128x128xf32, #tpu.memory_space<vmem>>
      %dma_wait3A_213 = tpu.memref_squeeze %dma_wait3A_212 : memref<1x128x128xf32, #tpu.memory_space<vmem>> -> memref<128x128xf32, #tpu.memory_space<vmem>>
      %dma_wait3A_214 = arith.constant 0 : i32
      %dma_wait3A_215 = tpu.memref_slice %arg12[%dma_wait3A_209, %dma_wait3A_214] : memref<8x128xi32, #tpu.memory_space<vmem>> -> memref<1x128xi32, #tpu.memory_space<vmem>>
      %dma_wait3A_216 = tpu.memref_squeeze %dma_wait3A_215 : memref<1x128xi32, #tpu.memory_space<vmem>> -> memref<128xi32, #tpu.memory_space<vmem>>
      %dma_wait3A_217 = arith.constant 0 : i32
      %dma_wait3A_218 = arith.constant 0 : i32
      %dma_wait3A_219 = tpu.memref_slice %arg9[%dma_wait3A_217, %dma_wait3A_218] : memref<10240x128xf32, #tpu.memory_space<vmem_shared>> -> memref<10240x128xf32, #tpu.memory_space<vmem_shared>>
      tpu.wait_indirect_dma semaphore(%arg17 : memref<!tpu.dma_semaphore, #tpu.memory_space<semaphore_mem>>) src(%dma_wait3A_213 : memref<128x128xf32, #tpu.memory_space<vmem>>) dst(%dma_wait3A_219 : memref<10240x128xf32, #tpu.memory_space<vmem_shared>>)
      %dma_start3A_220 = arith.constant 4 : i32
      %dma_start3A_221 = arith.constant 0 : i32
      %dma_start3A_222 = arith.constant 0 : i32
      %dma_start3A_223 = arith.constant 0 : i32
      %dma_start3A_224 = tpu.memref_slice %arg13[%dma_start3A_221, %dma_start3A_222, %dma_start3A_223] : memref<2x128x128xf32, #tpu.memory_space<vmem>> -> memref<1x128x128xf32, #tpu.memory_space<vmem>>
      %dma_start3A_225 = tpu.memref_squeeze %dma_start3A_224 : memref<1x128x128xf32, #tpu.memory_space<vmem>> -> memref<128x128xf32, #tpu.memory_space<vmem>>
      %dma_start3A_226 = arith.constant 0 : i32
      %dma_start3A_227 = tpu.memref_slice %arg11[%dma_start3A_220, %dma_start3A_226] : memref<8x128xi32, #tpu.memory_space<vmem>> -> memref<1x128xi32, #tpu.memory_space<vmem>>
      %dma_start3A_228 = tpu.memref_squeeze %dma_start3A_227 : memref<1x128xi32, #tpu.memory_space<vmem>> -> memref<128xi32, #tpu.memory_space<vmem>>
      %dma_start3A_229 = arith.constant 0 : i32
      %dma_start3A_230 = arith.constant 0 : i32
      %dma_start3A_231 = tpu.memref_slice %arg2[%dma_start3A_229, %dma_start3A_230] : memref<10000x128xf32, #tpu.memory_space<hbm>> -> memref<10000x128xf32, #tpu.memory_space<hbm>>
      tpu.enqueue_indirect_dma source(%dma_start3A_231 : memref<10000x128xf32, #tpu.memory_space<hbm>>) target(%dma_start3A_225 : memref<128x128xf32, #tpu.memory_space<vmem>>) offsets(%dma_start3A_228 : memref<128xi32, #tpu.memory_space<vmem>>) semaphore(%arg15 : memref<!tpu.dma_semaphore, #tpu.memory_space<semaphore_mem>>)
      %dma_wait3A_232 = arith.constant 3 : i32
      %dma_wait3A_233 = arith.constant 1 : i32
      %dma_wait3A_234 = arith.constant 0 : i32
      %dma_wait3A_235 = arith.constant 0 : i32
      %dma_wait3A_236 = tpu.memref_slice %arg13[%dma_wait3A_233, %dma_wait3A_234, %dma_wait3A_235] : memref<2x128x128xf32, #tpu.memory_space<vmem>> -> memref<1x128x128xf32, #tpu.memory_space<vmem>>
      %dma_wait3A_237 = tpu.memref_squeeze %dma_wait3A_236 : memref<1x128x128xf32, #tpu.memory_space<vmem>> -> memref<128x128xf32, #tpu.memory_space<vmem>>
      %dma_wait3A_238 = arith.constant 0 : i32
      %dma_wait3A_239 = tpu.memref_slice %arg11[%dma_wait3A_232, %dma_wait3A_238] : memref<8x128xi32, #tpu.memory_space<vmem>> -> memref<1x128xi32, #tpu.memory_space<vmem>>
      %dma_wait3A_240 = tpu.memref_squeeze %dma_wait3A_239 : memref<1x128xi32, #tpu.memory_space<vmem>> -> memref<128xi32, #tpu.memory_space<vmem>>
      %dma_wait3A_241 = arith.constant 0 : i32
      %dma_wait3A_242 = arith.constant 0 : i32
      %dma_wait3A_243 = tpu.memref_slice %arg2[%dma_wait3A_241, %dma_wait3A_242] : memref<10000x128xf32, #tpu.memory_space<hbm>> -> memref<10000x128xf32, #tpu.memory_space<hbm>>
      tpu.wait_indirect_dma semaphore(%arg16 : memref<!tpu.dma_semaphore, #tpu.memory_space<semaphore_mem>>) src(%dma_wait3A_243 : memref<10000x128xf32, #tpu.memory_space<hbm>>) dst(%dma_wait3A_237 : memref<128x128xf32, #tpu.memory_space<vmem>>)
      %dma_start3A_244 = arith.constant 1 : i32
      %dma_start3A_245 = arith.constant 3 : i32
      %dma_start3A_246 = arith.constant 0 : i32
      %dma_start3A_247 = arith.constant 0 : i32
      %dma_start3A_248 = tpu.memref_slice %arg13[%dma_start3A_244, %dma_start3A_246, %dma_start3A_247] : memref<2x128x128xf32, #tpu.memory_space<vmem>> -> memref<1x128x128xf32, #tpu.memory_space<vmem>>
      %dma_start3A_249 = tpu.memref_squeeze %dma_start3A_248 : memref<1x128x128xf32, #tpu.memory_space<vmem>> -> memref<128x128xf32, #tpu.memory_space<vmem>>
      %dma_start3A_250 = arith.constant 0 : i32
      %dma_start3A_251 = tpu.memref_slice %arg12[%dma_start3A_245, %dma_start3A_250] : memref<8x128xi32, #tpu.memory_space<vmem>> -> memref<1x128xi32, #tpu.memory_space<vmem>>
      %dma_start3A_252 = tpu.memref_squeeze %dma_start3A_251 : memref<1x128xi32, #tpu.memory_space<vmem>> -> memref<128xi32, #tpu.memory_space<vmem>>
      %dma_start3A_253 = arith.constant 0 : i32
      %dma_start3A_254 = arith.constant 0 : i32
      %dma_start3A_255 = tpu.memref_slice %arg9[%dma_start3A_253, %dma_start3A_254] : memref<10240x128xf32, #tpu.memory_space<vmem_shared>> -> memref<10240x128xf32, #tpu.memory_space<vmem_shared>>
      tpu.enqueue_indirect_dma source(%dma_start3A_249 : memref<128x128xf32, #tpu.memory_space<vmem>>) target(%dma_start3A_255 : memref<10240x128xf32, #tpu.memory_space<vmem_shared>>) offsets(%dma_start3A_252 : memref<128xi32, #tpu.memory_space<vmem>>) semaphore(%arg18 : memref<!tpu.dma_semaphore, #tpu.memory_space<semaphore_mem>>) {add = true}
      %dma_start3A_256 = arith.constant 3 : i32
      %dma_start3A_257 = arith.constant 384 : i32
      %dma_start3A_258 = arith.constant 0 : i32
      %dma_start3A_259 = tpu.memref_slice %arg14[%dma_start3A_257, %dma_start3A_258] : memref<1024x8xf32, #tpu.memory_space<vmem>> -> memref<128x8xf32, #tpu.memory_space<vmem>>
      %dma_start3A_260 = arith.constant 0 : i32
      %dma_start3A_261 = tpu.memref_slice %arg12[%dma_start3A_256, %dma_start3A_260] : memref<8x128xi32, #tpu.memory_space<vmem>> -> memref<1x128xi32, #tpu.memory_space<vmem>>
      %dma_start3A_262 = tpu.memref_squeeze %dma_start3A_261 : memref<1x128xi32, #tpu.memory_space<vmem>> -> memref<128xi32, #tpu.memory_space<vmem>>
      %dma_start3A_263 = arith.constant 0 : i32
      %dma_start3A_264 = arith.constant 0 : i32
      %dma_start3A_265 = tpu.memref_slice %arg10[%dma_start3A_263, %dma_start3A_264] : memref<10240x8xf32, #tpu.memory_space<vmem_shared>> -> memref<10240x8xf32, #tpu.memory_space<vmem_shared>>
      tpu.enqueue_indirect_dma source(%dma_start3A_259 : memref<128x8xf32, #tpu.memory_space<vmem>>) target(%dma_start3A_265 : memref<10240x8xf32, #tpu.memory_space<vmem_shared>>) offsets(%dma_start3A_262 : memref<128xi32, #tpu.memory_space<vmem>>) semaphore(%arg19 : memref<!tpu.dma_semaphore, #tpu.memory_space<semaphore_mem>>) {add = true}
      %dma_wait3A_266 = arith.constant 1 : i32
      %dma_wait3A_267 = arith.constant 3 : i32
      %dma_wait3A_268 = arith.constant 0 : i32
      %dma_wait3A_269 = arith.constant 0 : i32
      %dma_wait3A_270 = tpu.memref_slice %arg13[%dma_wait3A_266, %dma_wait3A_268, %dma_wait3A_269] : memref<2x128x128xf32, #tpu.memory_space<vmem>> -> memref<1x128x128xf32, #tpu.memory_space<vmem>>
      %dma_wait3A_271 = tpu.memref_squeeze %dma_wait3A_270 : memref<1x128x128xf32, #tpu.memory_space<vmem>> -> memref<128x128xf32, #tpu.memory_space<vmem>>
      %dma_wait3A_272 = arith.constant 0 : i32
      %dma_wait3A_273 = tpu.memref_slice %arg12[%dma_wait3A_267, %dma_wait3A_272] : memref<8x128xi32, #tpu.memory_space<vmem>> -> memref<1x128xi32, #tpu.memory_space<vmem>>
      %dma_wait3A_274 = tpu.memref_squeeze %dma_wait3A_273 : memref<1x128xi32, #tpu.memory_space<vmem>> -> memref<128xi32, #tpu.memory_space<vmem>>
      %dma_wait3A_275 = arith.constant 0 : i32
      %dma_wait3A_276 = arith.constant 0 : i32
      %dma_wait3A_277 = tpu.memref_slice %arg9[%dma_wait3A_275, %dma_wait3A_276] : memref<10240x128xf32, #tpu.memory_space<vmem_shared>> -> memref<10240x128xf32, #tpu.memory_space<vmem_shared>>
      tpu.wait_indirect_dma semaphore(%arg18 : memref<!tpu.dma_semaphore, #tpu.memory_space<semaphore_mem>>) src(%dma_wait3A_271 : memref<128x128xf32, #tpu.memory_space<vmem>>) dst(%dma_wait3A_277 : memref<10240x128xf32, #tpu.memory_space<vmem_shared>>)
      %dma_start3A_278 = arith.constant 5 : i32
      %dma_start3A_279 = arith.constant 1 : i32
      %dma_start3A_280 = arith.constant 0 : i32
      %dma_start3A_281 = arith.constant 0 : i32
      %dma_start3A_282 = tpu.memref_slice %arg13[%dma_start3A_279, %dma_start3A_280, %dma_start3A_281] : memref<2x128x128xf32, #tpu.memory_space<vmem>> -> memref<1x128x128xf32, #tpu.memory_space<vmem>>
      %dma_start3A_283 = tpu.memref_squeeze %dma_start3A_282 : memref<1x128x128xf32, #tpu.memory_space<vmem>> -> memref<128x128xf32, #tpu.memory_space<vmem>>
      %dma_start3A_284 = arith.constant 0 : i32
      %dma_start3A_285 = tpu.memref_slice %arg11[%dma_start3A_278, %dma_start3A_284] : memref<8x128xi32, #tpu.memory_space<vmem>> -> memref<1x128xi32, #tpu.memory_space<vmem>>
      %dma_start3A_286 = tpu.memref_squeeze %dma_start3A_285 : memref<1x128xi32, #tpu.memory_space<vmem>> -> memref<128xi32, #tpu.memory_space<vmem>>
      %dma_start3A_287 = arith.constant 0 : i32
      %dma_start3A_288 = arith.constant 0 : i32
      %dma_start3A_289 = tpu.memref_slice %arg2[%dma_start3A_287, %dma_start3A_288] : memref<10000x128xf32, #tpu.memory_space<hbm>> -> memref<10000x128xf32, #tpu.memory_space<hbm>>
      tpu.enqueue_indirect_dma source(%dma_start3A_289 : memref<10000x128xf32, #tpu.memory_space<hbm>>) target(%dma_start3A_283 : memref<128x128xf32, #tpu.memory_space<vmem>>) offsets(%dma_start3A_286 : memref<128xi32, #tpu.memory_space<vmem>>) semaphore(%arg16 : memref<!tpu.dma_semaphore, #tpu.memory_space<semaphore_mem>>)
      %dma_wait3A_290 = arith.constant 4 : i32
      %dma_wait3A_291 = arith.constant 0 : i32
      %dma_wait3A_292 = arith.constant 0 : i32
      %dma_wait3A_293 = arith.constant 0 : i32
      %dma_wait3A_294 = tpu.memref_slice %arg13[%dma_wait3A_291, %dma_wait3A_292, %dma_wait3A_293] : memref<2x128x128xf32, #tpu.memory_space<vmem>> -> memref<1x128x128xf32, #tpu.memory_space<vmem>>
      %dma_wait3A_295 = tpu.memref_squeeze %dma_wait3A_294 : memref<1x128x128xf32, #tpu.memory_space<vmem>> -> memref<128x128xf32, #tpu.memory_space<vmem>>
      %dma_wait3A_296 = arith.constant 0 : i32
      %dma_wait3A_297 = tpu.memref_slice %arg11[%dma_wait3A_290, %dma_wait3A_296] : memref<8x128xi32, #tpu.memory_space<vmem>> -> memref<1x128xi32, #tpu.memory_space<vmem>>
      %dma_wait3A_298 = tpu.memref_squeeze %dma_wait3A_297 : memref<1x128xi32, #tpu.memory_space<vmem>> -> memref<128xi32, #tpu.memory_space<vmem>>
      %dma_wait3A_299 = arith.constant 0 : i32
      %dma_wait3A_300 = arith.constant 0 : i32
      %dma_wait3A_301 = tpu.memref_slice %arg2[%dma_wait3A_299, %dma_wait3A_300] : memref<10000x128xf32, #tpu.memory_space<hbm>> -> memref<10000x128xf32, #tpu.memory_space<hbm>>
      tpu.wait_indirect_dma semaphore(%arg15 : memref<!tpu.dma_semaphore, #tpu.memory_space<semaphore_mem>>) src(%dma_wait3A_301 : memref<10000x128xf32, #tpu.memory_space<hbm>>) dst(%dma_wait3A_295 : memref<128x128xf32, #tpu.memory_space<vmem>>)
      %dma_start3A_302 = arith.constant 0 : i32
      %dma_start3A_303 = arith.constant 4 : i32
      %dma_start3A_304 = arith.constant 0 : i32
      %dma_start3A_305 = arith.constant 0 : i32
      %dma_start3A_306 = tpu.memref_slice %arg13[%dma_start3A_302, %dma_start3A_304, %dma_start3A_305] : memref<2x128x128xf32, #tpu.memory_space<vmem>> -> memref<1x128x128xf32, #tpu.memory_space<vmem>>
      %dma_start3A_307 = tpu.memref_squeeze %dma_start3A_306 : memref<1x128x128xf32, #tpu.memory_space<vmem>> -> memref<128x128xf32, #tpu.memory_space<vmem>>
      %dma_start3A_308 = arith.constant 0 : i32
      %dma_start3A_309 = tpu.memref_slice %arg12[%dma_start3A_303, %dma_start3A_308] : memref<8x128xi32, #tpu.memory_space<vmem>> -> memref<1x128xi32, #tpu.memory_space<vmem>>
      %dma_start3A_310 = tpu.memref_squeeze %dma_start3A_309 : memref<1x128xi32, #tpu.memory_space<vmem>> -> memref<128xi32, #tpu.memory_space<vmem>>
      %dma_start3A_311 = arith.constant 0 : i32
      %dma_start3A_312 = arith.constant 0 : i32
      %dma_start3A_313 = tpu.memref_slice %arg9[%dma_start3A_311, %dma_start3A_312] : memref<10240x128xf32, #tpu.memory_space<vmem_shared>> -> memref<10240x128xf32, #tpu.memory_space<vmem_shared>>
      tpu.enqueue_indirect_dma source(%dma_start3A_307 : memref<128x128xf32, #tpu.memory_space<vmem>>) target(%dma_start3A_313 : memref<10240x128xf32, #tpu.memory_space<vmem_shared>>) offsets(%dma_start3A_310 : memref<128xi32, #tpu.memory_space<vmem>>) semaphore(%arg17 : memref<!tpu.dma_semaphore, #tpu.memory_space<semaphore_mem>>) {add = true}
      %dma_start3A_314 = arith.constant 4 : i32
      %dma_start3A_315 = arith.constant 512 : i32
      %dma_start3A_316 = arith.constant 0 : i32
      %dma_start3A_317 = tpu.memref_slice %arg14[%dma_start3A_315, %dma_start3A_316] : memref<1024x8xf32, #tpu.memory_space<vmem>> -> memref<128x8xf32, #tpu.memory_space<vmem>>
      %dma_start3A_318 = arith.constant 0 : i32
      %dma_start3A_319 = tpu.memref_slice %arg12[%dma_start3A_314, %dma_start3A_318] : memref<8x128xi32, #tpu.memory_space<vmem>> -> memref<1x128xi32, #tpu.memory_space<vmem>>
      %dma_start3A_320 = tpu.memref_squeeze %dma_start3A_319 : memref<1x128xi32, #tpu.memory_space<vmem>> -> memref<128xi32, #tpu.memory_space<vmem>>
      %dma_start3A_321 = arith.constant 0 : i32
      %dma_start3A_322 = arith.constant 0 : i32
      %dma_start3A_323 = tpu.memref_slice %arg10[%dma_start3A_321, %dma_start3A_322] : memref<10240x8xf32, #tpu.memory_space<vmem_shared>> -> memref<10240x8xf32, #tpu.memory_space<vmem_shared>>
      tpu.enqueue_indirect_dma source(%dma_start3A_317 : memref<128x8xf32, #tpu.memory_space<vmem>>) target(%dma_start3A_323 : memref<10240x8xf32, #tpu.memory_space<vmem_shared>>) offsets(%dma_start3A_320 : memref<128xi32, #tpu.memory_space<vmem>>) semaphore(%arg19 : memref<!tpu.dma_semaphore, #tpu.memory_space<semaphore_mem>>) {add = true}
      %dma_wait3A_324 = arith.constant 0 : i32
      %dma_wait3A_325 = arith.constant 4 : i32
      %dma_wait3A_326 = arith.constant 0 : i32
      %dma_wait3A_327 = arith.constant 0 : i32
      %dma_wait3A_328 = tpu.memref_slice %arg13[%dma_wait3A_324, %dma_wait3A_326, %dma_wait3A_327] : memref<2x128x128xf32, #tpu.memory_space<vmem>> -> memref<1x128x128xf32, #tpu.memory_space<vmem>>
      %dma_wait3A_329 = tpu.memref_squeeze %dma_wait3A_328 : memref<1x128x128xf32, #tpu.memory_space<vmem>> -> memref<128x128xf32, #tpu.memory_space<vmem>>
      %dma_wait3A_330 = arith.constant 0 : i32
      %dma_wait3A_331 = tpu.memref_slice %arg12[%dma_wait3A_325, %dma_wait3A_330] : memref<8x128xi32, #tpu.memory_space<vmem>> -> memref<1x128xi32, #tpu.memory_space<vmem>>
      %dma_wait3A_332 = tpu.memref_squeeze %dma_wait3A_331 : memref<1x128xi32, #tpu.memory_space<vmem>> -> memref<128xi32, #tpu.memory_space<vmem>>
      %dma_wait3A_333 = arith.constant 0 : i32
      %dma_wait3A_334 = arith.constant 0 : i32
      %dma_wait3A_335 = tpu.memref_slice %arg9[%dma_wait3A_333, %dma_wait3A_334] : memref<10240x128xf32, #tpu.memory_space<vmem_shared>> -> memref<10240x128xf32, #tpu.memory_space<vmem_shared>>
      tpu.wait_indirect_dma semaphore(%arg17 : memref<!tpu.dma_semaphore, #tpu.memory_space<semaphore_mem>>) src(%dma_wait3A_329 : memref<128x128xf32, #tpu.memory_space<vmem>>) dst(%dma_wait3A_335 : memref<10240x128xf32, #tpu.memory_space<vmem_shared>>)
      %dma_start3A_336 = arith.constant 6 : i32
      %dma_start3A_337 = arith.constant 0 : i32
      %dma_start3A_338 = arith.constant 0 : i32
      %dma_start3A_339 = arith.constant 0 : i32
      %dma_start3A_340 = tpu.memref_slice %arg13[%dma_start3A_337, %dma_start3A_338, %dma_start3A_339] : memref<2x128x128xf32, #tpu.memory_space<vmem>> -> memref<1x128x128xf32, #tpu.memory_space<vmem>>
      %dma_start3A_341 = tpu.memref_squeeze %dma_start3A_340 : memref<1x128x128xf32, #tpu.memory_space<vmem>> -> memref<128x128xf32, #tpu.memory_space<vmem>>
      %dma_start3A_342 = arith.constant 0 : i32
      %dma_start3A_343 = tpu.memref_slice %arg11[%dma_start3A_336, %dma_start3A_342] : memref<8x128xi32, #tpu.memory_space<vmem>> -> memref<1x128xi32, #tpu.memory_space<vmem>>
      %dma_start3A_344 = tpu.memref_squeeze %dma_start3A_343 : memref<1x128xi32, #tpu.memory_space<vmem>> -> memref<128xi32, #tpu.memory_space<vmem>>
      %dma_start3A_345 = arith.constant 0 : i32
      %dma_start3A_346 = arith.constant 0 : i32
      %dma_start3A_347 = tpu.memref_slice %arg2[%dma_start3A_345, %dma_start3A_346] : memref<10000x128xf32, #tpu.memory_space<hbm>> -> memref<10000x128xf32, #tpu.memory_space<hbm>>
      tpu.enqueue_indirect_dma source(%dma_start3A_347 : memref<10000x128xf32, #tpu.memory_space<hbm>>) target(%dma_start3A_341 : memref<128x128xf32, #tpu.memory_space<vmem>>) offsets(%dma_start3A_344 : memref<128xi32, #tpu.memory_space<vmem>>) semaphore(%arg15 : memref<!tpu.dma_semaphore, #tpu.memory_space<semaphore_mem>>)
      %dma_wait3A_348 = arith.constant 5 : i32
      %dma_wait3A_349 = arith.constant 1 : i32
      %dma_wait3A_350 = arith.constant 0 : i32
      %dma_wait3A_351 = arith.constant 0 : i32
      %dma_wait3A_352 = tpu.memref_slice %arg13[%dma_wait3A_349, %dma_wait3A_350, %dma_wait3A_351] : memref<2x128x128xf32, #tpu.memory_space<vmem>> -> memref<1x128x128xf32, #tpu.memory_space<vmem>>
      %dma_wait3A_353 = tpu.memref_squeeze %dma_wait3A_352 : memref<1x128x128xf32, #tpu.memory_space<vmem>> -> memref<128x128xf32, #tpu.memory_space<vmem>>
      %dma_wait3A_354 = arith.constant 0 : i32
      %dma_wait3A_355 = tpu.memref_slice %arg11[%dma_wait3A_348, %dma_wait3A_354] : memref<8x128xi32, #tpu.memory_space<vmem>> -> memref<1x128xi32, #tpu.memory_space<vmem>>
      %dma_wait3A_356 = tpu.memref_squeeze %dma_wait3A_355 : memref<1x128xi32, #tpu.memory_space<vmem>> -> memref<128xi32, #tpu.memory_space<vmem>>
      %dma_wait3A_357 = arith.constant 0 : i32
      %dma_wait3A_358 = arith.constant 0 : i32
      %dma_wait3A_359 = tpu.memref_slice %arg2[%dma_wait3A_357, %dma_wait3A_358] : memref<10000x128xf32, #tpu.memory_space<hbm>> -> memref<10000x128xf32, #tpu.memory_space<hbm>>
      tpu.wait_indirect_dma semaphore(%arg16 : memref<!tpu.dma_semaphore, #tpu.memory_space<semaphore_mem>>) src(%dma_wait3A_359 : memref<10000x128xf32, #tpu.memory_space<hbm>>) dst(%dma_wait3A_353 : memref<128x128xf32, #tpu.memory_space<vmem>>)
      %dma_start3A_360 = arith.constant 1 : i32
      %dma_start3A_361 = arith.constant 5 : i32
      %dma_start3A_362 = arith.constant 0 : i32
      %dma_start3A_363 = arith.constant 0 : i32
      %dma_start3A_364 = tpu.memref_slice %arg13[%dma_start3A_360, %dma_start3A_362, %dma_start3A_363] : memref<2x128x128xf32, #tpu.memory_space<vmem>> -> memref<1x128x128xf32, #tpu.memory_space<vmem>>
      %dma_start3A_365 = tpu.memref_squeeze %dma_start3A_364 : memref<1x128x128xf32, #tpu.memory_space<vmem>> -> memref<128x128xf32, #tpu.memory_space<vmem>>
      %dma_start3A_366 = arith.constant 0 : i32
      %dma_start3A_367 = tpu.memref_slice %arg12[%dma_start3A_361, %dma_start3A_366] : memref<8x128xi32, #tpu.memory_space<vmem>> -> memref<1x128xi32, #tpu.memory_space<vmem>>
      %dma_start3A_368 = tpu.memref_squeeze %dma_start3A_367 : memref<1x128xi32, #tpu.memory_space<vmem>> -> memref<128xi32, #tpu.memory_space<vmem>>
      %dma_start3A_369 = arith.constant 0 : i32
      %dma_start3A_370 = arith.constant 0 : i32
      %dma_start3A_371 = tpu.memref_slice %arg9[%dma_start3A_369, %dma_start3A_370] : memref<10240x128xf32, #tpu.memory_space<vmem_shared>> -> memref<10240x128xf32, #tpu.memory_space<vmem_shared>>
      tpu.enqueue_indirect_dma source(%dma_start3A_365 : memref<128x128xf32, #tpu.memory_space<vmem>>) target(%dma_start3A_371 : memref<10240x128xf32, #tpu.memory_space<vmem_shared>>) offsets(%dma_start3A_368 : memref<128xi32, #tpu.memory_space<vmem>>) semaphore(%arg18 : memref<!tpu.dma_semaphore, #tpu.memory_space<semaphore_mem>>) {add = true}
      %dma_start3A_372 = arith.constant 5 : i32
      %dma_start3A_373 = arith.constant 640 : i32
      %dma_start3A_374 = arith.constant 0 : i32
      %dma_start3A_375 = tpu.memref_slice %arg14[%dma_start3A_373, %dma_start3A_374] : memref<1024x8xf32, #tpu.memory_space<vmem>> -> memref<128x8xf32, #tpu.memory_space<vmem>>
      %dma_start3A_376 = arith.constant 0 : i32
      %dma_start3A_377 = tpu.memref_slice %arg12[%dma_start3A_372, %dma_start3A_376] : memref<8x128xi32, #tpu.memory_space<vmem>> -> memref<1x128xi32, #tpu.memory_space<vmem>>
      %dma_start3A_378 = tpu.memref_squeeze %dma_start3A_377 : memref<1x128xi32, #tpu.memory_space<vmem>> -> memref<128xi32, #tpu.memory_space<vmem>>
      %dma_start3A_379 = arith.constant 0 : i32
      %dma_start3A_380 = arith.constant 0 : i32
      %dma_start3A_381 = tpu.memref_slice %arg10[%dma_start3A_379, %dma_start3A_380] : memref<10240x8xf32, #tpu.memory_space<vmem_shared>> -> memref<10240x8xf32, #tpu.memory_space<vmem_shared>>
      tpu.enqueue_indirect_dma source(%dma_start3A_375 : memref<128x8xf32, #tpu.memory_space<vmem>>) target(%dma_start3A_381 : memref<10240x8xf32, #tpu.memory_space<vmem_shared>>) offsets(%dma_start3A_378 : memref<128xi32, #tpu.memory_space<vmem>>) semaphore(%arg19 : memref<!tpu.dma_semaphore, #tpu.memory_space<semaphore_mem>>) {add = true}
      %dma_wait3A_382 = arith.constant 1 : i32
      %dma_wait3A_383 = arith.constant 5 : i32
      %dma_wait3A_384 = arith.constant 0 : i32
      %dma_wait3A_385 = arith.constant 0 : i32
      %dma_wait3A_386 = tpu.memref_slice %arg13[%dma_wait3A_382, %dma_wait3A_384, %dma_wait3A_385] : memref<2x128x128xf32, #tpu.memory_space<vmem>> -> memref<1x128x128xf32, #tpu.memory_space<vmem>>
      %dma_wait3A_387 = tpu.memref_squeeze %dma_wait3A_386 : memref<1x128x128xf32, #tpu.memory_space<vmem>> -> memref<128x128xf32, #tpu.memory_space<vmem>>
      %dma_wait3A_388 = arith.constant 0 : i32
      %dma_wait3A_389 = tpu.memref_slice %arg12[%dma_wait3A_383, %dma_wait3A_388] : memref<8x128xi32, #tpu.memory_space<vmem>> -> memref<1x128xi32, #tpu.memory_space<vmem>>
      %dma_wait3A_390 = tpu.memref_squeeze %dma_wait3A_389 : memref<1x128xi32, #tpu.memory_space<vmem>> -> memref<128xi32, #tpu.memory_space<vmem>>
      %dma_wait3A_391 = arith.constant 0 : i32
      %dma_wait3A_392 = arith.constant 0 : i32
      %dma_wait3A_393 = tpu.memref_slice %arg9[%dma_wait3A_391, %dma_wait3A_392] : memref<10240x128xf32, #tpu.memory_space<vmem_shared>> -> memref<10240x128xf32, #tpu.memory_space<vmem_shared>>
      tpu.wait_indirect_dma semaphore(%arg18 : memref<!tpu.dma_semaphore, #tpu.memory_space<semaphore_mem>>) src(%dma_wait3A_387 : memref<128x128xf32, #tpu.memory_space<vmem>>) dst(%dma_wait3A_393 : memref<10240x128xf32, #tpu.memory_space<vmem_shared>>)
      %dma_start3A_394 = arith.constant 7 : i32
      %dma_start3A_395 = arith.constant 1 : i32
      %dma_start3A_396 = arith.constant 0 : i32
      %dma_start3A_397 = arith.constant 0 : i32
      %dma_start3A_398 = tpu.memref_slice %arg13[%dma_start3A_395, %dma_start3A_396, %dma_start3A_397] : memref<2x128x128xf32, #tpu.memory_space<vmem>> -> memref<1x128x128xf32, #tpu.memory_space<vmem>>
      %dma_start3A_399 = tpu.memref_squeeze %dma_start3A_398 : memref<1x128x128xf32, #tpu.memory_space<vmem>> -> memref<128x128xf32, #tpu.memory_space<vmem>>
      %dma_start3A_400 = arith.constant 0 : i32
      %dma_start3A_401 = tpu.memref_slice %arg11[%dma_start3A_394, %dma_start3A_400] : memref<8x128xi32, #tpu.memory_space<vmem>> -> memref<1x128xi32, #tpu.memory_space<vmem>>
      %dma_start3A_402 = tpu.memref_squeeze %dma_start3A_401 : memref<1x128xi32, #tpu.memory_space<vmem>> -> memref<128xi32, #tpu.memory_space<vmem>>
      %dma_start3A_403 = arith.constant 0 : i32
      %dma_start3A_404 = arith.constant 0 : i32
      %dma_start3A_405 = tpu.memref_slice %arg2[%dma_start3A_403, %dma_start3A_404] : memref<10000x128xf32, #tpu.memory_space<hbm>> -> memref<10000x128xf32, #tpu.memory_space<hbm>>
      tpu.enqueue_indirect_dma source(%dma_start3A_405 : memref<10000x128xf32, #tpu.memory_space<hbm>>) target(%dma_start3A_399 : memref<128x128xf32, #tpu.memory_space<vmem>>) offsets(%dma_start3A_402 : memref<128xi32, #tpu.memory_space<vmem>>) semaphore(%arg16 : memref<!tpu.dma_semaphore, #tpu.memory_space<semaphore_mem>>)
      %dma_wait3A_406 = arith.constant 6 : i32
      %dma_wait3A_407 = arith.constant 0 : i32
      %dma_wait3A_408 = arith.constant 0 : i32
      %dma_wait3A_409 = arith.constant 0 : i32
      %dma_wait3A_410 = tpu.memref_slice %arg13[%dma_wait3A_407, %dma_wait3A_408, %dma_wait3A_409] : memref<2x128x128xf32, #tpu.memory_space<vmem>> -> memref<1x128x128xf32, #tpu.memory_space<vmem>>
      %dma_wait3A_411 = tpu.memref_squeeze %dma_wait3A_410 : memref<1x128x128xf32, #tpu.memory_space<vmem>> -> memref<128x128xf32, #tpu.memory_space<vmem>>
      %dma_wait3A_412 = arith.constant 0 : i32
      %dma_wait3A_413 = tpu.memref_slice %arg11[%dma_wait3A_406, %dma_wait3A_412] : memref<8x128xi32, #tpu.memory_space<vmem>> -> memref<1x128xi32, #tpu.memory_space<vmem>>
      %dma_wait3A_414 = tpu.memref_squeeze %dma_wait3A_413 : memref<1x128xi32, #tpu.memory_space<vmem>> -> memref<128xi32, #tpu.memory_space<vmem>>
      %dma_wait3A_415 = arith.constant 0 : i32
      %dma_wait3A_416 = arith.constant 0 : i32
      %dma_wait3A_417 = tpu.memref_slice %arg2[%dma_wait3A_415, %dma_wait3A_416] : memref<10000x128xf32, #tpu.memory_space<hbm>> -> memref<10000x128xf32, #tpu.memory_space<hbm>>
      tpu.wait_indirect_dma semaphore(%arg15 : memref<!tpu.dma_semaphore, #tpu.memory_space<semaphore_mem>>) src(%dma_wait3A_417 : memref<10000x128xf32, #tpu.memory_space<hbm>>) dst(%dma_wait3A_411 : memref<128x128xf32, #tpu.memory_space<vmem>>)
      %dma_start3A_418 = arith.constant 0 : i32
      %dma_start3A_419 = arith.constant 6 : i32
      %dma_start3A_420 = arith.constant 0 : i32
      %dma_start3A_421 = arith.constant 0 : i32
      %dma_start3A_422 = tpu.memref_slice %arg13[%dma_start3A_418, %dma_start3A_420, %dma_start3A_421] : memref<2x128x128xf32, #tpu.memory_space<vmem>> -> memref<1x128x128xf32, #tpu.memory_space<vmem>>
      %dma_start3A_423 = tpu.memref_squeeze %dma_start3A_422 : memref<1x128x128xf32, #tpu.memory_space<vmem>> -> memref<128x128xf32, #tpu.memory_space<vmem>>
      %dma_start3A_424 = arith.constant 0 : i32
      %dma_start3A_425 = tpu.memref_slice %arg12[%dma_start3A_419, %dma_start3A_424] : memref<8x128xi32, #tpu.memory_space<vmem>> -> memref<1x128xi32, #tpu.memory_space<vmem>>
      %dma_start3A_426 = tpu.memref_squeeze %dma_start3A_425 : memref<1x128xi32, #tpu.memory_space<vmem>> -> memref<128xi32, #tpu.memory_space<vmem>>
      %dma_start3A_427 = arith.constant 0 : i32
      %dma_start3A_428 = arith.constant 0 : i32
      %dma_start3A_429 = tpu.memref_slice %arg9[%dma_start3A_427, %dma_start3A_428] : memref<10240x128xf32, #tpu.memory_space<vmem_shared>> -> memref<10240x128xf32, #tpu.memory_space<vmem_shared>>
      tpu.enqueue_indirect_dma source(%dma_start3A_423 : memref<128x128xf32, #tpu.memory_space<vmem>>) target(%dma_start3A_429 : memref<10240x128xf32, #tpu.memory_space<vmem_shared>>) offsets(%dma_start3A_426 : memref<128xi32, #tpu.memory_space<vmem>>) semaphore(%arg17 : memref<!tpu.dma_semaphore, #tpu.memory_space<semaphore_mem>>) {add = true}
      %dma_start3A_430 = arith.constant 6 : i32
      %dma_start3A_431 = arith.constant 768 : i32
      %dma_start3A_432 = arith.constant 0 : i32
      %dma_start3A_433 = tpu.memref_slice %arg14[%dma_start3A_431, %dma_start3A_432] : memref<1024x8xf32, #tpu.memory_space<vmem>> -> memref<128x8xf32, #tpu.memory_space<vmem>>
      %dma_start3A_434 = arith.constant 0 : i32
      %dma_start3A_435 = tpu.memref_slice %arg12[%dma_start3A_430, %dma_start3A_434] : memref<8x128xi32, #tpu.memory_space<vmem>> -> memref<1x128xi32, #tpu.memory_space<vmem>>
      %dma_start3A_436 = tpu.memref_squeeze %dma_start3A_435 : memref<1x128xi32, #tpu.memory_space<vmem>> -> memref<128xi32, #tpu.memory_space<vmem>>
      %dma_start3A_437 = arith.constant 0 : i32
      %dma_start3A_438 = arith.constant 0 : i32
      %dma_start3A_439 = tpu.memref_slice %arg10[%dma_start3A_437, %dma_start3A_438] : memref<10240x8xf32, #tpu.memory_space<vmem_shared>> -> memref<10240x8xf32, #tpu.memory_space<vmem_shared>>
      tpu.enqueue_indirect_dma source(%dma_start3A_433 : memref<128x8xf32, #tpu.memory_space<vmem>>) target(%dma_start3A_439 : memref<10240x8xf32, #tpu.memory_space<vmem_shared>>) offsets(%dma_start3A_436 : memref<128xi32, #tpu.memory_space<vmem>>) semaphore(%arg19 : memref<!tpu.dma_semaphore, #tpu.memory_space<semaphore_mem>>) {add = true}
      %dma_wait3A_440 = arith.constant 7 : i32
      %dma_wait3A_441 = arith.constant 1 : i32
      %dma_wait3A_442 = arith.constant 0 : i32
      %dma_wait3A_443 = arith.constant 0 : i32
      %dma_wait3A_444 = tpu.memref_slice %arg13[%dma_wait3A_441, %dma_wait3A_442, %dma_wait3A_443] : memref<2x128x128xf32, #tpu.memory_space<vmem>> -> memref<1x128x128xf32, #tpu.memory_space<vmem>>
      %dma_wait3A_445 = tpu.memref_squeeze %dma_wait3A_444 : memref<1x128x128xf32, #tpu.memory_space<vmem>> -> memref<128x128xf32, #tpu.memory_space<vmem>>
      %dma_wait3A_446 = arith.constant 0 : i32
      %dma_wait3A_447 = tpu.memref_slice %arg11[%dma_wait3A_440, %dma_wait3A_446] : memref<8x128xi32, #tpu.memory_space<vmem>> -> memref<1x128xi32, #tpu.memory_space<vmem>>
      %dma_wait3A_448 = tpu.memref_squeeze %dma_wait3A_447 : memref<1x128xi32, #tpu.memory_space<vmem>> -> memref<128xi32, #tpu.memory_space<vmem>>
      %dma_wait3A_449 = arith.constant 0 : i32
      %dma_wait3A_450 = arith.constant 0 : i32
      %dma_wait3A_451 = tpu.memref_slice %arg2[%dma_wait3A_449, %dma_wait3A_450] : memref<10000x128xf32, #tpu.memory_space<hbm>> -> memref<10000x128xf32, #tpu.memory_space<hbm>>
      tpu.wait_indirect_dma semaphore(%arg16 : memref<!tpu.dma_semaphore, #tpu.memory_space<semaphore_mem>>) src(%dma_wait3A_451 : memref<10000x128xf32, #tpu.memory_space<hbm>>) dst(%dma_wait3A_445 : memref<128x128xf32, #tpu.memory_space<vmem>>)
      %dma_start3A_452 = arith.constant 1 : i32
      %dma_start3A_453 = arith.constant 7 : i32
      %dma_start3A_454 = arith.constant 0 : i32
      %dma_start3A_455 = arith.constant 0 : i32
      %dma_start3A_456 = tpu.memref_slice %arg13[%dma_start3A_452, %dma_start3A_454, %dma_start3A_455] : memref<2x128x128xf32, #tpu.memory_space<vmem>> -> memref<1x128x128xf32, #tpu.memory_space<vmem>>
      %dma_start3A_457 = tpu.memref_squeeze %dma_start3A_456 : memref<1x128x128xf32, #tpu.memory_space<vmem>> -> memref<128x128xf32, #tpu.memory_space<vmem>>
      %dma_start3A_458 = arith.constant 0 : i32
      %dma_start3A_459 = tpu.memref_slice %arg12[%dma_start3A_453, %dma_start3A_458] : memref<8x128xi32, #tpu.memory_space<vmem>> -> memref<1x128xi32, #tpu.memory_space<vmem>>
      %dma_start3A_460 = tpu.memref_squeeze %dma_start3A_459 : memref<1x128xi32, #tpu.memory_space<vmem>> -> memref<128xi32, #tpu.memory_space<vmem>>
      %dma_start3A_461 = arith.constant 0 : i32
      %dma_start3A_462 = arith.constant 0 : i32
      %dma_start3A_463 = tpu.memref_slice %arg9[%dma_start3A_461, %dma_start3A_462] : memref<10240x128xf32, #tpu.memory_space<vmem_shared>> -> memref<10240x128xf32, #tpu.memory_space<vmem_shared>>
      tpu.enqueue_indirect_dma source(%dma_start3A_457 : memref<128x128xf32, #tpu.memory_space<vmem>>) target(%dma_start3A_463 : memref<10240x128xf32, #tpu.memory_space<vmem_shared>>) offsets(%dma_start3A_460 : memref<128xi32, #tpu.memory_space<vmem>>) semaphore(%arg18 : memref<!tpu.dma_semaphore, #tpu.memory_space<semaphore_mem>>) {add = true}
      %dma_start3A_464 = arith.constant 7 : i32
      %dma_start3A_465 = arith.constant 896 : i32
      %dma_start3A_466 = arith.constant 0 : i32
      %dma_start3A_467 = tpu.memref_slice %arg14[%dma_start3A_465, %dma_start3A_466] : memref<1024x8xf32, #tpu.memory_space<vmem>> -> memref<128x8xf32, #tpu.memory_space<vmem>>
      %dma_start3A_468 = arith.constant 0 : i32
      %dma_start3A_469 = tpu.memref_slice %arg12[%dma_start3A_464, %dma_start3A_468] : memref<8x128xi32, #tpu.memory_space<vmem>> -> memref<1x128xi32, #tpu.memory_space<vmem>>
      %dma_start3A_470 = tpu.memref_squeeze %dma_start3A_469 : memref<1x128xi32, #tpu.memory_space<vmem>> -> memref<128xi32, #tpu.memory_space<vmem>>
      %dma_start3A_471 = arith.constant 0 : i32
      %dma_start3A_472 = arith.constant 0 : i32
      %dma_start3A_473 = tpu.memref_slice %arg10[%dma_start3A_471, %dma_start3A_472] : memref<10240x8xf32, #tpu.memory_space<vmem_shared>> -> memref<10240x8xf32, #tpu.memory_space<vmem_shared>>
      tpu.enqueue_indirect_dma source(%dma_start3A_467 : memref<128x8xf32, #tpu.memory_space<vmem>>) target(%dma_start3A_473 : memref<10240x8xf32, #tpu.memory_space<vmem_shared>>) offsets(%dma_start3A_470 : memref<128xi32, #tpu.memory_space<vmem>>) semaphore(%arg19 : memref<!tpu.dma_semaphore, #tpu.memory_space<semaphore_mem>>) {add = true}
      %dma_wait3A_474 = arith.constant 0 : i32
      %dma_wait3A_475 = arith.constant 0 : i32
      %dma_wait3A_476 = arith.constant 0 : i32
      %dma_wait3A_477 = arith.constant 0 : i32
      %dma_wait3A_478 = tpu.memref_slice %arg13[%dma_wait3A_474, %dma_wait3A_476, %dma_wait3A_477] : memref<2x128x128xf32, #tpu.memory_space<vmem>> -> memref<1x128x128xf32, #tpu.memory_space<vmem>>
      %dma_wait3A_479 = tpu.memref_squeeze %dma_wait3A_478 : memref<1x128x128xf32, #tpu.memory_space<vmem>> -> memref<128x128xf32, #tpu.memory_space<vmem>>
      %dma_wait3A_480 = arith.constant 0 : i32
      %dma_wait3A_481 = tpu.memref_slice %arg12[%dma_wait3A_475, %dma_wait3A_480] : memref<8x128xi32, #tpu.memory_space<vmem>> -> memref<1x128xi32, #tpu.memory_space<vmem>>
      %dma_wait3A_482 = tpu.memref_squeeze %dma_wait3A_481 : memref<1x128xi32, #tpu.memory_space<vmem>> -> memref<128xi32, #tpu.memory_space<vmem>>
      %dma_wait3A_483 = arith.constant 0 : i32
      %dma_wait3A_484 = arith.constant 0 : i32
      %dma_wait3A_485 = tpu.memref_slice %arg9[%dma_wait3A_483, %dma_wait3A_484] : memref<10240x128xf32, #tpu.memory_space<vmem_shared>> -> memref<10240x128xf32, #tpu.memory_space<vmem_shared>>
      tpu.wait_indirect_dma semaphore(%arg17 : memref<!tpu.dma_semaphore, #tpu.memory_space<semaphore_mem>>) src(%dma_wait3A_479 : memref<128x128xf32, #tpu.memory_space<vmem>>) dst(%dma_wait3A_485 : memref<10240x128xf32, #tpu.memory_space<vmem_shared>>)
      %dma_wait3A_486 = arith.constant 1 : i32
      %dma_wait3A_487 = arith.constant 0 : i32
      %dma_wait3A_488 = arith.constant 0 : i32
      %dma_wait3A_489 = arith.constant 0 : i32
      %dma_wait3A_490 = tpu.memref_slice %arg13[%dma_wait3A_486, %dma_wait3A_488, %dma_wait3A_489] : memref<2x128x128xf32, #tpu.memory_space<vmem>> -> memref<1x128x128xf32, #tpu.memory_space<vmem>>
      %dma_wait3A_491 = tpu.memref_squeeze %dma_wait3A_490 : memref<1x128x128xf32, #tpu.memory_space<vmem>> -> memref<128x128xf32, #tpu.memory_space<vmem>>
      %dma_wait3A_492 = arith.constant 0 : i32
      %dma_wait3A_493 = tpu.memref_slice %arg12[%dma_wait3A_487, %dma_wait3A_492] : memref<8x128xi32, #tpu.memory_space<vmem>> -> memref<1x128xi32, #tpu.memory_space<vmem>>
      %dma_wait3A_494 = tpu.memref_squeeze %dma_wait3A_493 : memref<1x128xi32, #tpu.memory_space<vmem>> -> memref<128xi32, #tpu.memory_space<vmem>>
      %dma_wait3A_495 = arith.constant 0 : i32
      %dma_wait3A_496 = arith.constant 0 : i32
      %dma_wait3A_497 = tpu.memref_slice %arg9[%dma_wait3A_495, %dma_wait3A_496] : memref<10240x128xf32, #tpu.memory_space<vmem_shared>> -> memref<10240x128xf32, #tpu.memory_space<vmem_shared>>
      tpu.wait_indirect_dma semaphore(%arg18 : memref<!tpu.dma_semaphore, #tpu.memory_space<semaphore_mem>>) src(%dma_wait3A_491 : memref<128x128xf32, #tpu.memory_space<vmem>>) dst(%dma_wait3A_497 : memref<10240x128xf32, #tpu.memory_space<vmem_shared>>)
      %dma_wait3A_498 = arith.constant 0 : i32
      %dma_wait3A_499 = arith.constant 0 : i32
      %dma_wait3A_500 = arith.constant 0 : i32
      %dma_wait3A_501 = tpu.memref_slice %arg14[%dma_wait3A_499, %dma_wait3A_500] : memref<1024x8xf32, #tpu.memory_space<vmem>> -> memref<128x8xf32, #tpu.memory_space<vmem>>
      %dma_wait3A_502 = arith.constant 0 : i32
      %dma_wait3A_503 = tpu.memref_slice %arg12[%dma_wait3A_498, %dma_wait3A_502] : memref<8x128xi32, #tpu.memory_space<vmem>> -> memref<1x128xi32, #tpu.memory_space<vmem>>
      %dma_wait3A_504 = tpu.memref_squeeze %dma_wait3A_503 : memref<1x128xi32, #tpu.memory_space<vmem>> -> memref<128xi32, #tpu.memory_space<vmem>>
      %dma_wait3A_505 = arith.constant 0 : i32
      %dma_wait3A_506 = arith.constant 0 : i32
      %dma_wait3A_507 = tpu.memref_slice %arg10[%dma_wait3A_505, %dma_wait3A_506] : memref<10240x8xf32, #tpu.memory_space<vmem_shared>> -> memref<10240x8xf32, #tpu.memory_space<vmem_shared>>
      tpu.wait_indirect_dma semaphore(%arg19 : memref<!tpu.dma_semaphore, #tpu.memory_space<semaphore_mem>>) src(%dma_wait3A_501 : memref<128x8xf32, #tpu.memory_space<vmem>>) dst(%dma_wait3A_507 : memref<10240x8xf32, #tpu.memory_space<vmem_shared>>)
      %dma_wait3A_508 = arith.constant 0 : i32
      %dma_wait3A_509 = arith.constant 0 : i32
      %dma_wait3A_510 = arith.constant 0 : i32
      %dma_wait3A_511 = tpu.memref_slice %arg14[%dma_wait3A_509, %dma_wait3A_510] : memref<1024x8xf32, #tpu.memory_space<vmem>> -> memref<128x8xf32, #tpu.memory_space<vmem>>
      %dma_wait3A_512 = arith.constant 0 : i32
      %dma_wait3A_513 = tpu.memref_slice %arg12[%dma_wait3A_508, %dma_wait3A_512] : memref<8x128xi32, #tpu.memory_space<vmem>> -> memref<1x128xi32, #tpu.memory_space<vmem>>
      %dma_wait3A_514 = tpu.memref_squeeze %dma_wait3A_513 : memref<1x128xi32, #tpu.memory_space<vmem>> -> memref<128xi32, #tpu.memory_space<vmem>>
      %dma_wait3A_515 = arith.constant 0 : i32
      %dma_wait3A_516 = arith.constant 0 : i32
      %dma_wait3A_517 = tpu.memref_slice %arg10[%dma_wait3A_515, %dma_wait3A_516] : memref<10240x8xf32, #tpu.memory_space<vmem_shared>> -> memref<10240x8xf32, #tpu.memory_space<vmem_shared>>
      tpu.wait_indirect_dma semaphore(%arg19 : memref<!tpu.dma_semaphore, #tpu.memory_space<semaphore_mem>>) src(%dma_wait3A_511 : memref<128x8xf32, #tpu.memory_space<vmem>>) dst(%dma_wait3A_517 : memref<10240x8xf32, #tpu.memory_space<vmem_shared>>)
      %dma_wait3A_518 = arith.constant 0 : i32
      %dma_wait3A_519 = arith.constant 0 : i32
      %dma_wait3A_520 = arith.constant 0 : i32
      %dma_wait3A_521 = tpu.memref_slice %arg14[%dma_wait3A_519, %dma_wait3A_520] : memref<1024x8xf32, #tpu.memory_space<vmem>> -> memref<128x8xf32, #tpu.memory_space<vmem>>
      %dma_wait3A_522 = arith.constant 0 : i32
      %dma_wait3A_523 = tpu.memref_slice %arg12[%dma_wait3A_518, %dma_wait3A_522] : memref<8x128xi32, #tpu.memory_space<vmem>> -> memref<1x128xi32, #tpu.memory_space<vmem>>
      %dma_wait3A_524 = tpu.memref_squeeze %dma_wait3A_523 : memref<1x128xi32, #tpu.memory_space<vmem>> -> memref<128xi32, #tpu.memory_space<vmem>>
      %dma_wait3A_525 = arith.constant 0 : i32
      %dma_wait3A_526 = arith.constant 0 : i32
      %dma_wait3A_527 = tpu.memref_slice %arg10[%dma_wait3A_525, %dma_wait3A_526] : memref<10240x8xf32, #tpu.memory_space<vmem_shared>> -> memref<10240x8xf32, #tpu.memory_space<vmem_shared>>
      tpu.wait_indirect_dma semaphore(%arg19 : memref<!tpu.dma_semaphore, #tpu.memory_space<semaphore_mem>>) src(%dma_wait3A_521 : memref<128x8xf32, #tpu.memory_space<vmem>>) dst(%dma_wait3A_527 : memref<10240x8xf32, #tpu.memory_space<vmem_shared>>)
      %dma_wait3A_528 = arith.constant 0 : i32
      %dma_wait3A_529 = arith.constant 0 : i32
      %dma_wait3A_530 = arith.constant 0 : i32
      %dma_wait3A_531 = tpu.memref_slice %arg14[%dma_wait3A_529, %dma_wait3A_530] : memref<1024x8xf32, #tpu.memory_space<vmem>> -> memref<128x8xf32, #tpu.memory_space<vmem>>
      %dma_wait3A_532 = arith.constant 0 : i32
      %dma_wait3A_533 = tpu.memref_slice %arg12[%dma_wait3A_528, %dma_wait3A_532] : memref<8x128xi32, #tpu.memory_space<vmem>> -> memref<1x128xi32, #tpu.memory_space<vmem>>
      %dma_wait3A_534 = tpu.memref_squeeze %dma_wait3A_533 : memref<1x128xi32, #tpu.memory_space<vmem>> -> memref<128xi32, #tpu.memory_space<vmem>>
      %dma_wait3A_535 = arith.constant 0 : i32
      %dma_wait3A_536 = arith.constant 0 : i32
      %dma_wait3A_537 = tpu.memref_slice %arg10[%dma_wait3A_535, %dma_wait3A_536] : memref<10240x8xf32, #tpu.memory_space<vmem_shared>> -> memref<10240x8xf32, #tpu.memory_space<vmem_shared>>
      tpu.wait_indirect_dma semaphore(%arg19 : memref<!tpu.dma_semaphore, #tpu.memory_space<semaphore_mem>>) src(%dma_wait3A_531 : memref<128x8xf32, #tpu.memory_space<vmem>>) dst(%dma_wait3A_537 : memref<10240x8xf32, #tpu.memory_space<vmem_shared>>)
      %dma_wait3A_538 = arith.constant 0 : i32
      %dma_wait3A_539 = arith.constant 0 : i32
      %dma_wait3A_540 = arith.constant 0 : i32
      %dma_wait3A_541 = tpu.memref_slice %arg14[%dma_wait3A_539, %dma_wait3A_540] : memref<1024x8xf32, #tpu.memory_space<vmem>> -> memref<128x8xf32, #tpu.memory_space<vmem>>
      %dma_wait3A_542 = arith.constant 0 : i32
      %dma_wait3A_543 = tpu.memref_slice %arg12[%dma_wait3A_538, %dma_wait3A_542] : memref<8x128xi32, #tpu.memory_space<vmem>> -> memref<1x128xi32, #tpu.memory_space<vmem>>
      %dma_wait3A_544 = tpu.memref_squeeze %dma_wait3A_543 : memref<1x128xi32, #tpu.memory_space<vmem>> -> memref<128xi32, #tpu.memory_space<vmem>>
      %dma_wait3A_545 = arith.constant 0 : i32
      %dma_wait3A_546 = arith.constant 0 : i32
      %dma_wait3A_547 = tpu.memref_slice %arg10[%dma_wait3A_545, %dma_wait3A_546] : memref<10240x8xf32, #tpu.memory_space<vmem_shared>> -> memref<10240x8xf32, #tpu.memory_space<vmem_shared>>
      tpu.wait_indirect_dma semaphore(%arg19 : memref<!tpu.dma_semaphore, #tpu.memory_space<semaphore_mem>>) src(%dma_wait3A_541 : memref<128x8xf32, #tpu.memory_space<vmem>>) dst(%dma_wait3A_547 : memref<10240x8xf32, #tpu.memory_space<vmem_shared>>)
      %dma_wait3A_548 = arith.constant 0 : i32
      %dma_wait3A_549 = arith.constant 0 : i32
      %dma_wait3A_550 = arith.constant 0 : i32
      %dma_wait3A_551 = tpu.memref_slice %arg14[%dma_wait3A_549, %dma_wait3A_550] : memref<1024x8xf32, #tpu.memory_space<vmem>> -> memref<128x8xf32, #tpu.memory_space<vmem>>
      %dma_wait3A_552 = arith.constant 0 : i32
      %dma_wait3A_553 = tpu.memref_slice %arg12[%dma_wait3A_548, %dma_wait3A_552] : memref<8x128xi32, #tpu.memory_space<vmem>> -> memref<1x128xi32, #tpu.memory_space<vmem>>
      %dma_wait3A_554 = tpu.memref_squeeze %dma_wait3A_553 : memref<1x128xi32, #tpu.memory_space<vmem>> -> memref<128xi32, #tpu.memory_space<vmem>>
      %dma_wait3A_555 = arith.constant 0 : i32
      %dma_wait3A_556 = arith.constant 0 : i32
      %dma_wait3A_557 = tpu.memref_slice %arg10[%dma_wait3A_555, %dma_wait3A_556] : memref<10240x8xf32, #tpu.memory_space<vmem_shared>> -> memref<10240x8xf32, #tpu.memory_space<vmem_shared>>
      tpu.wait_indirect_dma semaphore(%arg19 : memref<!tpu.dma_semaphore, #tpu.memory_space<semaphore_mem>>) src(%dma_wait3A_551 : memref<128x8xf32, #tpu.memory_space<vmem>>) dst(%dma_wait3A_557 : memref<10240x8xf32, #tpu.memory_space<vmem_shared>>)
      %dma_wait3A_558 = arith.constant 0 : i32
      %dma_wait3A_559 = arith.constant 0 : i32
      %dma_wait3A_560 = arith.constant 0 : i32
      %dma_wait3A_561 = tpu.memref_slice %arg14[%dma_wait3A_559, %dma_wait3A_560] : memref<1024x8xf32, #tpu.memory_space<vmem>> -> memref<128x8xf32, #tpu.memory_space<vmem>>
      %dma_wait3A_562 = arith.constant 0 : i32
      %dma_wait3A_563 = tpu.memref_slice %arg12[%dma_wait3A_558, %dma_wait3A_562] : memref<8x128xi32, #tpu.memory_space<vmem>> -> memref<1x128xi32, #tpu.memory_space<vmem>>
      %dma_wait3A_564 = tpu.memref_squeeze %dma_wait3A_563 : memref<1x128xi32, #tpu.memory_space<vmem>> -> memref<128xi32, #tpu.memory_space<vmem>>
      %dma_wait3A_565 = arith.constant 0 : i32
      %dma_wait3A_566 = arith.constant 0 : i32
      %dma_wait3A_567 = tpu.memref_slice %arg10[%dma_wait3A_565, %dma_wait3A_566] : memref<10240x8xf32, #tpu.memory_space<vmem_shared>> -> memref<10240x8xf32, #tpu.memory_space<vmem_shared>>
      tpu.wait_indirect_dma semaphore(%arg19 : memref<!tpu.dma_semaphore, #tpu.memory_space<semaphore_mem>>) src(%dma_wait3A_561 : memref<128x8xf32, #tpu.memory_space<vmem>>) dst(%dma_wait3A_567 : memref<10240x8xf32, #tpu.memory_space<vmem_shared>>)
      %dma_wait3A_568 = arith.constant 0 : i32
      %dma_wait3A_569 = arith.constant 0 : i32
      %dma_wait3A_570 = arith.constant 0 : i32
      %dma_wait3A_571 = tpu.memref_slice %arg14[%dma_wait3A_569, %dma_wait3A_570] : memref<1024x8xf32, #tpu.memory_space<vmem>> -> memref<128x8xf32, #tpu.memory_space<vmem>>
      %dma_wait3A_572 = arith.constant 0 : i32
      %dma_wait3A_573 = tpu.memref_slice %arg12[%dma_wait3A_568, %dma_wait3A_572] : memref<8x128xi32, #tpu.memory_space<vmem>> -> memref<1x128xi32, #tpu.memory_space<vmem>>
      %dma_wait3A_574 = tpu.memref_squeeze %dma_wait3A_573 : memref<1x128xi32, #tpu.memory_space<vmem>> -> memref<128xi32, #tpu.memory_space<vmem>>
      %dma_wait3A_575 = arith.constant 0 : i32
      %dma_wait3A_576 = arith.constant 0 : i32
      %dma_wait3A_577 = tpu.memref_slice %arg10[%dma_wait3A_575, %dma_wait3A_576] : memref<10240x8xf32, #tpu.memory_space<vmem_shared>> -> memref<10240x8xf32, #tpu.memory_space<vmem_shared>>
      tpu.wait_indirect_dma semaphore(%arg19 : memref<!tpu.dma_semaphore, #tpu.memory_space<semaphore_mem>>) src(%dma_wait3A_571 : memref<128x8xf32, #tpu.memory_space<vmem>>) dst(%dma_wait3A_577 : memref<10240x8xf32, #tpu.memory_space<vmem_shared>>)
    }
    %scan3A_24 = arith.constant 20 : i32
    %barrier3A_25 = arith.constant 0 : index
    tpu.barrier barrier_id(%barrier3A_25)
    %mul3A_26 = arith.constant 640 : i32
    %mul3A_27 = arith.muli %arg1, %mul3A_26 : i32
    "tpu.region"() ({
      %run_scoped3A_28 = tpu.sem_alloc : memref<!tpu.dma_semaphore, #tpu.memory_space<semaphore_mem>>
      %dma_start3A = arith.constant 0 : i32
      %dma_start3A_29 = tpu.memref_slice %arg7[%arg0, %mul3A_27, %dma_start3A] : memref<2x10240x128xf32, #tpu.memory_space<hbm>> -> memref<1x640x128xf32, #tpu.memory_space<hbm>>
      %dma_start3A_30 = tpu.memref_squeeze %dma_start3A_29 : memref<1x640x128xf32, #tpu.memory_space<hbm>> -> memref<640x128xf32, #tpu.memory_space<hbm>>
      %dma_start3A_31 = arith.constant 0 : i32
      %dma_start3A_32 = tpu.memref_slice %arg9[%mul3A_27, %dma_start3A_31] : memref<10240x128xf32, #tpu.memory_space<vmem_shared>> -> memref<640x128xf32, #tpu.memory_space<vmem_shared>>
      tpu.enqueue_dma source(%dma_start3A_32 : memref<640x128xf32, #tpu.memory_space<vmem_shared>>) target(%dma_start3A_30 : memref<640x128xf32, #tpu.memory_space<hbm>>) target_semaphore(%run_scoped3A_28 : memref<!tpu.dma_semaphore, #tpu.memory_space<semaphore_mem>>)
      %dma_wait3A = arith.constant 0 : i32
      %dma_wait3A_33 = tpu.memref_slice %arg7[%arg0, %mul3A_27, %dma_wait3A] : memref<2x10240x128xf32, #tpu.memory_space<hbm>> -> memref<1x640x128xf32, #tpu.memory_space<hbm>>
      %dma_wait3A_34 = tpu.memref_squeeze %dma_wait3A_33 : memref<1x640x128xf32, #tpu.memory_space<hbm>> -> memref<640x128xf32, #tpu.memory_space<hbm>>
      %dma_wait3A_35 = arith.constant 0 : i32
      %dma_wait3A_36 = tpu.memref_slice %arg9[%mul3A_27, %dma_wait3A_35] : memref<10240x128xf32, #tpu.memory_space<vmem_shared>> -> memref<640x128xf32, #tpu.memory_space<vmem_shared>>
      tpu.wait_dma2 semaphore(%run_scoped3A_28 : memref<!tpu.dma_semaphore, #tpu.memory_space<semaphore_mem>>) src(%dma_wait3A_36 : memref<640x128xf32, #tpu.memory_space<vmem_shared>>) dst(%dma_wait3A_34 : memref<640x128xf32, #tpu.memory_space<hbm>>)
      tpu.yield
    }) : () -> ()
    "tpu.region"() ({
      %run_scoped3A_28 = tpu.sem_alloc : memref<!tpu.dma_semaphore, #tpu.memory_space<semaphore_mem>>
      %dma_start3A = arith.constant 0 : i32
      %dma_start3A_29 = tpu.memref_slice %arg8[%arg0, %mul3A_27, %dma_start3A] : memref<2x10240x8xf32, #tpu.memory_space<hbm>> -> memref<1x640x8xf32, #tpu.memory_space<hbm>>
      %dma_start3A_30 = tpu.memref_squeeze %dma_start3A_29 : memref<1x640x8xf32, #tpu.memory_space<hbm>> -> memref<640x8xf32, #tpu.memory_space<hbm>>
      %dma_start3A_31 = arith.constant 0 : i32
      %dma_start3A_32 = tpu.memref_slice %arg10[%mul3A_27, %dma_start3A_31] : memref<10240x8xf32, #tpu.memory_space<vmem_shared>> -> memref<640x8xf32, #tpu.memory_space<vmem_shared>>
      tpu.enqueue_dma source(%dma_start3A_32 : memref<640x8xf32, #tpu.memory_space<vmem_shared>>) target(%dma_start3A_30 : memref<640x8xf32, #tpu.memory_space<hbm>>) target_semaphore(%run_scoped3A_28 : memref<!tpu.dma_semaphore, #tpu.memory_space<semaphore_mem>>)
      %dma_wait3A = arith.constant 0 : i32
      %dma_wait3A_33 = tpu.memref_slice %arg8[%arg0, %mul3A_27, %dma_wait3A] : memref<2x10240x8xf32, #tpu.memory_space<hbm>> -> memref<1x640x8xf32, #tpu.memory_space<hbm>>
      %dma_wait3A_34 = tpu.memref_squeeze %dma_wait3A_33 : memref<1x640x8xf32, #tpu.memory_space<hbm>> -> memref<640x8xf32, #tpu.memory_space<hbm>>
      %dma_wait3A_35 = arith.constant 0 : i32
      %dma_wait3A_36 = tpu.memref_slice %arg10[%mul3A_27, %dma_wait3A_35] : memref<10240x8xf32, #tpu.memory_space<vmem_shared>> -> memref<640x8xf32, #tpu.memory_space<vmem_shared>>
      tpu.wait_dma2 semaphore(%run_scoped3A_28 : memref<!tpu.dma_semaphore, #tpu.memory_space<semaphore_mem>>) src(%dma_wait3A_36 : memref<640x8xf32, #tpu.memory_space<vmem_shared>>) dst(%dma_wait3A_34 : memref<640x8xf32, #tpu.memory_space<hbm>>)
      tpu.yield
    }) : () -> ()
    return
  }
}

module attributes {stable_mosaic.version = 14 : i64} {
  func.func @body(%arg0: i32, %arg1: memref<1000x128xf32, #tpu.memory_space<vmem>>, %arg2: memref<1000x128xf32, #tpu.memory_space<vmem>>, %arg3: memref<1000x8xf32, #tpu.memory_space<vmem>>, %arg4: memref<1000x8xf32, #tpu.memory_space<vmem>>, %arg5: memref<512x128xf32, #tpu.memory_space<vmem>>, %arg6: memref<4x128xf32, #tpu.memory_space<vmem>>, %arg7: memref<1x128xf32, #tpu.memory_space<vmem>>, %arg8: memref<1000x128xf32, #tpu.memory_space<vmem>>) attributes {dimension_semantics = [#tpu.dimension_semantics<arbitrary>], iteration_bounds = array<i64: 10>, scalar_prefetch = 0 : i64, scratch_operands = 0 : i64, tpu.core_type = #tpu.core_type<tc>, window_params = [{transform_indices = @transform_0, window_bounds = array<i64: 1000, 128>}, {transform_indices = @transform_1, window_bounds = array<i64: 1000, 128>}, {transform_indices = @transform_2, window_bounds = array<i64: 1000, 8>}, {transform_indices = @transform_3, window_bounds = array<i64: 1000, 8>}, {pipeline_mode = #tpu.pipeline_mode<synchronous>, transform_indices = @transform_4, window_bounds = array<i64: 512, 128>}, {pipeline_mode = #tpu.pipeline_mode<synchronous>, transform_indices = @transform_5, window_bounds = array<i64: 4, 128>}, {pipeline_mode = #tpu.pipeline_mode<synchronous>, transform_indices = @transform_6, window_bounds = array<i64: 1, 128>}, {transform_indices = @transform_7, window_bounds = array<i64: 1000, 128>}]} {
    %get3A = arith.constant 0 : index
    %get3A_0 = arith.constant 0 : index
    %get3A_1 = vector.load %arg5[%get3A, %get3A_0] : memref<512x128xf32, #tpu.memory_space<vmem>>, vector<512x128xf32>
    %get3A_2 = arith.constant 0 : index
    %get3A_3 = arith.constant 0 : index
    %get3A_4 = vector.load %arg6[%get3A_2, %get3A_3] : memref<4x128xf32, #tpu.memory_space<vmem>>, vector<4x128xf32>
    %get3A_5 = arith.constant 0 : index
    %get3A_6 = arith.constant 0 : index
    %get3A_7 = vector.load %arg1[%get3A_5, %get3A_6] : memref<1000x128xf32, #tpu.memory_space<vmem>>, vector<1000x128xf32>
    %slice3A = vector.extract_strided_slice %get3A_1 {offsets = [0, 0], sizes = [128, 128], strides = [1, 1]} : vector<512x128xf32> to vector<128x128xf32>
    %dot_general3A = arith.constant dense<0.000000e+00> : vector<1000x128xf32>
    %dot_general3A_8 = tpu.matmul %get3A_7, %slice3A, %dot_general3A {dimension_numbers = #tpu.dot_dimension_numbers<[1], [0], [0], [1], [0, 0, 1, 1], [], []>, transpose_lhs_hint = false} : vector<1000x128xf32>, vector<128x128xf32>, vector<1000x128xf32> -> vector<1000x128xf32>
    %get3A_9 = arith.constant 0 : index
    %get3A_10 = arith.constant 0 : index
    %get3A_11 = vector.load %arg3[%get3A_9, %get3A_10] : memref<1000x8xf32, #tpu.memory_space<vmem>>, vector<1000x4xf32>
    %slice3A_12 = vector.extract_strided_slice %get3A_1 {offsets = [128, 0], sizes = [128, 128], strides = [1, 1]} : vector<512x128xf32> to vector<128x128xf32>
    %dot_general3A_13 = arith.constant dense<0.000000e+00> : vector<4x128xf32>
    %dot_general3A_14 = tpu.matmul %get3A_4, %slice3A_12, %dot_general3A_13 {dimension_numbers = #tpu.dot_dimension_numbers<[1], [0], [0], [1], [0, 0, 1, 1], [], []>, transpose_lhs_hint = false} : vector<4x128xf32>, vector<128x128xf32>, vector<4x128xf32> -> vector<4x128xf32>
    %dot_general3A_15 = arith.constant dense<0.000000e+00> : vector<1000x128xf32>
    %dot_general3A_16 = tpu.matmul %get3A_11, %dot_general3A_14, %dot_general3A_15 {dimension_numbers = #tpu.dot_dimension_numbers<[1], [0], [0], [1], [0, 0, 1, 1], [], []>, transpose_lhs_hint = false} : vector<1000x4xf32>, vector<4x128xf32>, vector<1000x128xf32> -> vector<1000x128xf32>
    %add3A = arith.addf %dot_general3A_8, %dot_general3A_16 : vector<1000x128xf32>
    %get3A_17 = arith.constant 0 : index
    %get3A_18 = arith.constant 4 : index
    %get3A_19 = vector.load %arg3[%get3A_17, %get3A_18] : memref<1000x8xf32, #tpu.memory_space<vmem>>, vector<1000x1xf32>
    %max3A = arith.constant 1.000000e+00 : f32
    %max3A_20 = vector.broadcast %max3A : f32 to vector<1000x1xf32>
    %max3A_21 = arith.maximumf %get3A_19, %max3A_20 : vector<1000x1xf32>
    %get3A_22 = arith.constant 0 : index
    %get3A_23 = arith.constant 0 : index
    %get3A_24 = vector.load %arg2[%get3A_22, %get3A_23] : memref<1000x128xf32, #tpu.memory_space<vmem>>, vector<1000x128xf32>
    %slice3A_25 = vector.extract_strided_slice %get3A_1 {offsets = [256, 0], sizes = [128, 128], strides = [1, 1]} : vector<512x128xf32> to vector<128x128xf32>
    %dot_general3A_26 = arith.constant dense<0.000000e+00> : vector<1000x128xf32>
    %dot_general3A_27 = tpu.matmul %get3A_24, %slice3A_25, %dot_general3A_26 {dimension_numbers = #tpu.dot_dimension_numbers<[1], [0], [0], [1], [0, 0, 1, 1], [], []>, transpose_lhs_hint = false} : vector<1000x128xf32>, vector<128x128xf32>, vector<1000x128xf32> -> vector<1000x128xf32>
    %get3A_28 = arith.constant 0 : index
    %get3A_29 = arith.constant 0 : index
    %get3A_30 = vector.load %arg4[%get3A_28, %get3A_29] : memref<1000x8xf32, #tpu.memory_space<vmem>>, vector<1000x4xf32>
    %slice3A_31 = vector.extract_strided_slice %get3A_1 {offsets = [384, 0], sizes = [128, 128], strides = [1, 1]} : vector<512x128xf32> to vector<128x128xf32>
    %dot_general3A_32 = arith.constant dense<0.000000e+00> : vector<4x128xf32>
    %dot_general3A_33 = tpu.matmul %get3A_4, %slice3A_31, %dot_general3A_32 {dimension_numbers = #tpu.dot_dimension_numbers<[1], [0], [0], [1], [0, 0, 1, 1], [], []>, transpose_lhs_hint = false} : vector<4x128xf32>, vector<128x128xf32>, vector<4x128xf32> -> vector<4x128xf32>
    %dot_general3A_34 = arith.constant dense<0.000000e+00> : vector<1000x128xf32>
    %dot_general3A_35 = tpu.matmul %get3A_30, %dot_general3A_33, %dot_general3A_34 {dimension_numbers = #tpu.dot_dimension_numbers<[1], [0], [0], [1], [0, 0, 1, 1], [], []>, transpose_lhs_hint = false} : vector<1000x4xf32>, vector<4x128xf32>, vector<1000x128xf32> -> vector<1000x128xf32>
    %add3A_36 = arith.addf %dot_general3A_27, %dot_general3A_35 : vector<1000x128xf32>
    %get3A_37 = arith.constant 0 : index
    %get3A_38 = arith.constant 4 : index
    %get3A_39 = vector.load %arg4[%get3A_37, %get3A_38] : memref<1000x8xf32, #tpu.memory_space<vmem>>, vector<1000x1xf32>
    %max3A_40 = arith.constant 1.000000e+00 : f32
    %max3A_41 = vector.broadcast %max3A_40 : f32 to vector<1000x1xf32>
    %max3A_42 = arith.maximumf %get3A_39, %max3A_41 : vector<1000x1xf32>
    %div3A = vector.broadcast %max3A_21 : vector<1000x1xf32> to vector<1000x128xf32>
    %div3A_43 = arith.divf %add3A, %div3A : vector<1000x128xf32>
    %div3A_44 = vector.broadcast %max3A_42 : vector<1000x1xf32> to vector<1000x128xf32>
    %div3A_45 = arith.divf %add3A_36, %div3A_44 : vector<1000x128xf32>
    %add3A_46 = arith.addf %div3A_43, %div3A_45 : vector<1000x128xf32>
    %get3A_47 = arith.constant 0 : index
    %get3A_48 = arith.constant 0 : index
    %get3A_49 = vector.load %arg7[%get3A_47, %get3A_48] : memref<1x128xf32, #tpu.memory_space<vmem>>, vector<1x128xf32>
    %add3A_50 = vector.broadcast %get3A_49 : vector<1x128xf32> to vector<1000x128xf32>
    %add3A_51 = arith.addf %add3A_46, %add3A_50 : vector<1000x128xf32>
    %swap3A = arith.constant 0 : index
    %swap3A_52 = arith.constant 0 : index
    %swap3A_53 = vector.load %arg8[%swap3A, %swap3A_52] : memref<1000x128xf32, #tpu.memory_space<vmem>>, vector<1000x128xf32>
    tpu.vector_store %arg8[%swap3A, %swap3A_52], %add3A_51 {strides = array<i32>} : memref<1000x128xf32, #tpu.memory_space<vmem>>, vector<1000x128xf32>,
    return
  }
  func.func @transform_0(%arg0: i32) -> (i32, i32) {
    %c0_i32 = arith.constant 0 : i32
    %c0_i32_0 = arith.constant 0 : i32
    return %arg0, %c0_i32 : i32, i32
  }
  func.func @transform_1(%arg0: i32) -> (i32, i32) {
    %c0_i32 = arith.constant 0 : i32
    %c0_i32_0 = arith.constant 0 : i32
    return %arg0, %c0_i32 : i32, i32
  }
  func.func @transform_2(%arg0: i32) -> (i32, i32) {
    %c0_i32 = arith.constant 0 : i32
    %c0_i32_0 = arith.constant 0 : i32
    return %arg0, %c0_i32 : i32, i32
  }
  func.func @transform_3(%arg0: i32) -> (i32, i32) {
    %c0_i32 = arith.constant 0 : i32
    %c0_i32_0 = arith.constant 0 : i32
    return %arg0, %c0_i32 : i32, i32
  }
  func.func @transform_4(%arg0: i32) -> (i32, i32) {
    %c0_i32 = arith.constant 0 : i32
    %c0_i32_0 = arith.constant 0 : i32
    %c0_i32_1 = arith.constant 0 : i32
    return %c0_i32, %c0_i32_0 : i32, i32
  }
  func.func @transform_5(%arg0: i32) -> (i32, i32) {
    %c0_i32 = arith.constant 0 : i32
    %c0_i32_0 = arith.constant 0 : i32
    %c0_i32_1 = arith.constant 0 : i32
    return %c0_i32, %c0_i32_0 : i32, i32
  }
  func.func @transform_6(%arg0: i32) -> (i32, i32) {
    %c0_i32 = arith.constant 0 : i32
    %c0_i32_0 = arith.constant 0 : i32
    %c0_i32_1 = arith.constant 0 : i32
    return %c0_i32, %c0_i32_0 : i32, i32
  }
  func.func @transform_7(%arg0: i32) -> (i32, i32) {
    %c0_i32 = arith.constant 0 : i32
    %c0_i32_0 = arith.constant 0 : i32
    return %arg0, %c0_i32 : i32, i32
  }
}

</mosaic_0001>

<sc_bundles>
// kernel: kernel.4.cloned.1.call-start
scs
__scs_entry_jumppad:
0x0: {  	(pc) =	sbr.rel $0x88, $3  }
0x1: {  	(tag) =	ssettag $0x0;
	lr =	simm.s32 $0x1  }
0x2: {  	[smem:$0x3F9B] =	sst lr;
	_ =	strace $0xD0000000  }
0x3: {  	_ = 	snop  }
0x4: {  	_ = 	snop  }
0x5: {  	_ = 	snop  }
0x6: {  	_ = 	snop  }
0x7: {  	_ = 	snop  }
__scs_overlays_trampoline_lowered:
0x8: {  	[smem:$0x3FAA] =	sst s0  }
0x9: {  	[smem:$0x3FAB] =	sst s1  }
0xa: {  	[smem:$0x3FAC] =	sst s2  }
0xb: {  	[smem:$0x3FAD] =	sst s3  }
0xc: {  	[smem:$0x3FAE] =	sst s4  }
0xd: {  	[smem:$0x3FAF] =	sst s5  }
0xe: {  	[smem:$0x3FB0] =	sst s6  }
0xf: {  	[smem:$0x3FB1] =	sst s7  }
0x10: {  	[smem:$0x3FB2] =	sst s8  }
0x11: {  	[smem:$0x3FB3] =	sst s9;
	s0 =	simm.s32 @!p0 $0x0  }
0x12: {  	s1 =	sld [smem:$0x3F99];
	s0 =	simm.s32 @p0 $0x1  }
0x13: {  	[smem:$0x3FB4] =	sst s0;
	s0 =	simm.s32 @!p1 $0x0  }
0x14: {  	s2 =	sld [smem:$0x3F98];
	s0 =	simm.s32 @p1 $0x1  }
0x15: {  	[smem:$0x3FB5] =	sst s0;
	s0 =	simm.s32 @!p2 $0x0  }
0x16: {  	s3 =	sld [smem:$0x3FDB];
	s0 =	simm.s32 @p2 $0x1  }
0x17: {  	s4 =	simm.s32 $0x1BF5;
	[smem:$0x3FB7] =	sst s0  }
0x18: {  	s0 =	sld [smem:$0x3F9A];
	_ =	swait.ge [sflag:s4], $0x0  }
0x19: {  	s7 =	sld [smem:$0x3F9B]  }
0x1a: {  	s8 =	sadd.s32 $0xFFFFE003, lr  }
0x1b: {  	s9 =	sadd.s32 $0xFFFFFEF7, lr;
	s5 =	simm.s32 $0xFFFFFFFF;
	p2 =	slt.u32 s8, $0xFFFFF086  }
0x1c: {  	p1 =	slt.u32 s9, $0xF7A;
	s5 =	simm.s32 @!p2 $0x0  }
0x1d: {  	s5 =	simm.s32 @p1 $0x1;
	p0 =	seq.s32 s7, s2  }
0x1e: {  	s7 =	smul.u32 @!p0 $0xF7A, s2;
	p2 =	seq.s32 @!p0 s5, $0x0  }
0x1f: {  	s9 =	smul.u32 $0xF7A, s1;
	s8 =	simm.s32 @!p0 $0x1BF5;
	p2 =	por !p2, p0  }
0x20: {  	[sflag:s8] =	ssyncset.s32 @!p0 $0xFFFFF086;
	s6 =	sadd.s32 @!p0 s3, s7;
	s7 =	simm.s32 @!p0 $0x108  }
0x21: {  	s3 =	sadd.s32 s3, s9;
	s6 =	sadd.s32 @!p0 $0x88, s6;
	s7 =	simm.s32 @p2 $0x1082  }
0x22: {  	[simem:s7], [sflag:s8] =	dma.local @!p0 [hbm:s6], $0xF7A  }
0x23: {  	s9 =	sor.u32 $0xD0000000, s2;
	s6 =	simm.s32 $0x108;
	_ =	swait.ge @!p0 [sflag:s8], $0x0  }
0x24: {  	s3 =	sadd.s32 $0x88, s3;
	s6 =	simm.s32 @!p1 $0x1082;
	[sflag:s4] =	ssyncset.s32 $0xFFFFF086  }
0x25: {  	[simem:s6], [sflag:s4] =	dma.local [hbm:s3], $0xF7A  }
0x26: {  	[smem:$0x3F9B] =	sst s1;
	(tag) =	ssettag s2;
	_ =	strace s9  }
0x27: {  	s1 =	sld [smem:$0x3FAB]  }
0x28: {  	s2 =	sld [smem:$0x3FAC]  }
0x29: {  	s4 =	sld [smem:$0x3FAE]  }
0x2a: {  	p0 =	seq.s32 s5, $0x0;
	s5 =	sld [smem:$0x3FAF]  }
0x2b: {  	s6 =	sld [smem:$0x3FB0]  }
0x2c: {  	s7 =	sld [smem:$0x3FB1]  }
0x2d: {  	s3 =	simm.s32 $0x108;
	s8 =	sld [smem:$0x3FB2]  }
0x2e: {  	s3 =	simm.s32 @!p0 $0x1082;
	s9 =	sld [smem:$0x3FB3]  }
0x2f: {  	lr =	sadd.s32 s0, s3;
	s0 =	sld [smem:$0x3FAA]  }
0x30: {  	s3 =	sld [smem:$0x3FAD]  }
0x31: {  	[smem:$0x3FB6] =	sst s10  }
0x32: {  	s10 =	sld [smem:$0x3FB4];
	_ =	sdelay $0x3  }
0x33: {  	p0 =	seq.s32 s10, $0x1;
	s10 =	sld [smem:$0x3FB6];
	_ =	sdelay $0x3  }
0x34: {  	[smem:$0x3FB6] =	sst s10  }
0x35: {  	s10 =	sld [smem:$0x3FB5];
	_ =	sdelay $0x3  }
0x36: {  	p1 =	seq.s32 s10, $0x1;
	s10 =	sld [smem:$0x3FB6];
	_ =	sdelay $0x3  }
0x37: {  	[smem:$0x3FB6] =	sst s10  }
0x38: {  	s10 =	sld [smem:$0x3FB7]  }
0x39: {  	_ = 	snop;
	(pc) =	sbr.ind lr, $3  }
0x3a: {  	_ = 	snop  }
0x3b: {  	_ = 	snop  }
0x3c: {  	p2 =	seq.s32 s10, $0x1;
	s10 =	sld [smem:$0x3FB6]  }
0x3d: {  	_ =	shalt  }
0x3e: {  	_ =	shalt  }
0x3f: {  	_ =	shalt  }
0x40: {  	_ =	shalt  }
0x41: {  	_ =	shalt  }
0x42: {  	_ =	shalt  }
0x43: {  	_ =	shalt  }
0x44: {  	_ =	shalt  }
0x45: {  	_ =	shalt  }
0x46: {  	_ =	shalt  }
0x47: {  	_ =	shalt  }
0x48: {  	_ =	shalt  }
0x49: {  	_ =	shalt  }
0x4a: {  	_ =	shalt  }
0x4b: {  	_ =	shalt  }
0x4c: {  	_ =	shalt  }
0x4d: {  	_ =	shalt  }
0x4e: {  	_ =	shalt  }
0x4f: {  	_ =	shalt  }
0x50: {  	_ =	shalt  }
0x51: {  	_ =	shalt  }
0x52: {  	_ =	shalt  }
0x53: {  	_ =	shalt  }
0x54: {  	_ =	shalt  }
0x55: {  	_ =	shalt  }
0x56: {  	_ =	shalt  }
0x57: {  	_ =	shalt  }
0x58: {  	_ =	shalt  }
0x59: {  	_ =	shalt  }
0x5a: {  	_ =	shalt  }
0x5b: {  	_ =	shalt  }
0x5c: {  	_ =	shalt  }
0x5d: {  	_ =	shalt  }
0x5e: {  	_ =	shalt  }
0x5f: {  	_ =	shalt  }
0x60: {  	_ =	shalt  }
0x61: {  	_ =	shalt  }
0x62: {  	_ =	shalt  }
0x63: {  	_ =	shalt  }
0x64: {  	_ =	shalt  }
0x65: {  	_ =	shalt  }
0x66: {  	_ =	shalt  }
0x67: {  	_ =	shalt  }
0x68: {  	_ =	shalt  }
0x69: {  	_ =	shalt  }
0x6a: {  	_ =	shalt  }
0x6b: {  	_ =	shalt  }
0x6c: {  	_ =	shalt  }
0x6d: {  	_ =	shalt  }
0x6e: {  	_ =	shalt  }
0x6f: {  	_ =	shalt  }
0x70: {  	_ =	shalt  }
0x71: {  	_ =	shalt  }
0x72: {  	_ =	shalt  }
0x73: {  	_ =	shalt  }
0x74: {  	_ =	shalt  }
0x75: {  	_ =	shalt  }
0x76: {  	_ =	shalt  }
0x77: {  	_ =	shalt  }
0x78: {  	_ =	shalt  }
0x79: {  	_ =	shalt  }
0x7a: {  	_ =	shalt  }
0x7b: {  	_ =	shalt  }
0x7c: {  	_ =	shalt  }
0x7d: {  	_ =	shalt  }
0x7e: {  	_ =	shalt  }
0x7f: {  	_ =	shalt  }
0x80: {  	_ =	shalt  }
0x81: {  	_ =	shalt  }
0x82: {  	_ =	shalt  }
0x83: {  	_ =	shalt  }
0x84: {  	_ =	shalt  }
0x85: {  	_ =	shalt  }
0x86: {  	_ =	shalt  }
0x87: {  	_ =	shalt  }
.Lfunc_end0:
.L_simem_size_0:
called_computation_lowered:
.L_overlay_start_0:
0x88: {  	s2 =	sld [smem:$0x3FD9]  }
0x89: {  	s3 =	sld [smem:$0x3FFE];
	_ =	sdelay $0x1  }
0x8a: {  	s1 =	srdreg.scid  }
0x8b: {  	s0 =	sand.u32 $0x1, s1  }
0x8c: {  	s17 =	sshll.u32 s0, $0xA;
	s2 =	sadd.s32 s3, s2  }
0x8d: {  	s2 =	sadd.s32 s2, s17  }
0x8e: {  	[smem:$0x3FC2] =	sst s2  }
0x8f: {  	_ = 	snop  }
0x90: {  	s2 =	sld [smem:$0x3FC9]  }
0x91: {  	s18 =	sld [smem:$0x3FD0];
	(tm) =	ssettm $0x1  }
0x92: {  	s4 =	sld [smem:$0x3FFB];
	_ =	sdelay $0x3  }
0x93: {  	_ =	strace s4  }
0x94: {  	s4 =	sld [smem:$0x3FFC];
	_ =	sdelay $0x3  }
0x95: {  	_ =	strace s4  }
0x96: {  	s4 =	sld [smem:$0x3FFD];
	_ =	sdelay $0x3  }
0x97: {  	_ =	strace s4  }
0x98: {  	_ =	strace $0x8FFFFFFF  }
0x99: {  	s19 =	sld [smem:$0x3FDB];
	_ =	sdelay $0x1  }
0x9a: {  	s5 =	simm.s32 $_scs_section_size  }
0x9b: {  	s6 =	simm.s32 $_size__tile_overlayer_lowered;
	s7 =	simm.s32 $_tile_overlayer_lowered  }
0x9c: {  	s22 =	simm.s32 $0x1BFF;
	s21 =	sshll.u32 s7, $0x1;
	s4 =	sadd.s32 s5, s19  }
0x9d: {  	s8 =	simm.s32 $0x0;
	s20 =	sshll.u32 s6, $0x1;
	s6 =	sadd.s32 s21, s4  }
0x9e: {  	[timem:s8], [sflag:s22] =	dma.local [hbm:s6], s20  }
0x9f: {  	_ =	swait.ge [sflag:s22], s20  }
0xa0: {  	s5 =	ssub.s32 $0x0, s20;
	[sflag:s22] =	ssyncset.done $0x0  }
0xa1: {  	[sflag:s22] =	ssyncadd.s32 s5;
	_ =	sdelay $0x1  }
0xa2: {  	s23 =	simm.s32 $0x1B8B  }
0xa3: {  	_ =	swait.ge [sflag:s23], $0x1  }
0xa4: {  	[sflag:s23] =	ssyncset.done $0x0  }
0xa5: {  	s25 =	simm.s32 $0x1B8E;
	s24 =	sld [smem:$0x3FFE];
	[sflag:s23] =	ssyncadd.s32 $0xFFFFFFFF  }
0xa6: {  	s26 =	simm.s32 $execute0_lowered;
	[smem:$0x3FD2] =	sst s25  }
0xa7: {  	s6 =	sshll.u32 s26, $0x1;
	_ =	strace $0x80000046;
	[dreg:$0x1] =	wrdreg $0xFFFFFFFF  }
0xa8: {  	s28 =	simm.s32 $_size_execute0_lowered;
	s4 =	sadd.s32 s4, s6;
	[dreg:$0x0] =	wrdreg $0x0  }
0xa9: {  	s6 =	sshll.u32 s28, $0x1;
	[dreg:$0x2] =	wrdreg s4  }
0xaa: {  	[dreg:$0x3] =	wrdreg s6  }
0xab: {  	[dreg:$0x4] =	wrdreg $0xC0  }
0xac: {  	_ =	task [dreg:s8], $0x5FFFF  }
0xad: {  	[dreg:$0x1] =	wrdreg $0xFFFFFFFF  }
0xae: {  	[dreg:$0x0] =	wrdreg $0x60  }
0xaf: {  	[dreg:$0x2] =	wrdreg s2  }
0xb0: {  	[dreg:$0x3] =	wrdreg s18  }
0xb1: {  	[dreg:$0x4] =	wrdreg s24  }
0xb2: {  	[dreg:$0x5] =	wrdreg $0x0  }
0xb3: {  	[dreg:$0x6] =	wrdreg $0x140000  }
0xb4: {  	[dreg:$0x7] =	wrdreg $0x9  }
0xb5: {  	_ =	task.clear_ibuf [dreg:s8], $0x8FFFF;
	_ =	strace $0x90000046  }
0xb6: {  	s29 =	simm.s32 $0x9;
	_ =	strace $0x80000048  }
0xb7: {  	_ =	swait.ge [sflag:s29], $0x1  }
0xb8: {  	[sflag:s29] =	ssyncadd.s32 $0xFFFFFFFF  }
0xb9: {  	_ =	strace $0x90000048  }
0xba: {  	_ =	sfence  }
0xbb: {  	s30 =	sld [smem:$0x0];
	_ =	sdelay $0x2  }
0xbc: {  	s31 =	sshll.u32 s1, $0xD;
	s1 =	sshrl.u32 s1, $0x2  }
0xbd: {  	s3 =	sand.u32 $0x4000, s31;
	s1 =	sadd.s32 s1, s30  }
0xbe: {  	s0 =	sor.u32 s3, s0;
	s1 =	sshll.u32 s1, $0x11  }
0xbf: {  	s0 =	sor.u32 s1, s0  }
0xc0: {  	s0 =	sadd.s32 $0x8F2B, s0  }
0xc1: {  	[sflag:s0] =	ssyncadd.remote.s32 $0x1  }
0xc2: {  	_ =	sfence.sel $0xFFFF  }
0xc3: {  	[dreg:$0x0] =	wrdreg $0xFFFFFFFF;
	(pc) =	sbr.abs _section_cstart, $3  }
0xc4: {  	[dreg:$0x1] =	wrdreg $0xFFFFFFFF  }
0xc5: {  	_ =	task.clear_ibuf [dreg:s8], $0x2FFFF;
	_ =	strace $0x9FFFFFFF  }
0xc6: {  	(tm) =	ssettm $0x7FFFFFFF  }
0xc7: {  	_ =	shalt  }
tec
execute0_lowered:
.L_overlay_start_1:
0x0: {  	(tag) =	ssettag $0x1  }
0x1: {  	s1 =	rddreg [dreg:$0x0]  }
0x2: {  	s0 =	rddreg [dreg:$0x1]  }
0x3: {  	s2 =	rddreg [dreg:$0x2]  }
0x4: {  	s4 =	srdreg.scid;
	s15 =	stileid.u32  }
0x5: {  	s3 =	rddreg [dreg:$0x3];
	s5 =	simm.s32 $0x0;
	s16 =	simm.s32 $0x1E000  }
0x6: {  	s18 =	simm.s32 $0x15580;
	s19 =	simm.s32 $0x1E400;
	s7 =	smul.u32 $0x5000, s15  }
0x7: {  	s20 =	simm.s32 $0x15600;
	s28 =	simm.s32 $0x15880;
	s9 =	smul.u32 $0x1400, s15  }
0x8: {  	s6 =	sand.u32 $0x1, s4;
	s4 =	rddreg [dreg:$0x4];
	s10 =	smul.u32 $0x14000, s15  }
0x9: {  	s29 =	simm.s32 $0x4;
	[smem:$0x7FF] =	sst s5;
	s15 =	smul.u32 $0x50000, s15  }
0xa: {  	s8 =	smul.u32 $0x50000, s6;
	_ =	strace $0x80000047;
	[dreg:$0xa] =	wrdreg s16  }
0xb: {  	s30 =	simm.s32 $0x15900;
	s11 =	smul.u32 $0x140000, s6;
	[dreg:$0xb] =	wrdreg s18  }
0xc: {  	s31 =	simm.s32 $0x15980;
	s14 =	smul.u32 $0x14000, s6;
	[dreg:$0xc] =	wrdreg s19  }
0xd: {  	s6 =	ssub.s32 $0x2, s6;
	[dreg:$0xd] =	wrdreg s20;
	s13 =	sshrl.u32 s9, $0x3  }
0xe: {  	s21 =	sshrl.u32 s6, $0x1;
	s15 =	sshrl.u32 s15, $0x2;
	s8 =	sadd.s32 s7, s8  }
0xf: {  	s7 =	sadd.s32 s7, s2;
	s13 =	sadd.s32 s13, s2;
	s11 =	sadd.s32 s10, s11  }
0x10: {  	s14 =	sadd.s32 s9, s14;
	s6 =	ssub.s32 s6, s21;
	s9 =	sadd.s32 s9, s4  }
0x11: {  	s22 =	sadd.s32 s15, s3;
	s21 =	simm.s32 $0x1E800;
	[dreg:$0x19] =	wrdreg s9  }
0x12: {  	s8 =	sshrl.u32 s8, $0x3;
	s15 =	sadd.s32 $0x4000, s22;
	[dreg:$0xe] =	wrdreg s21  }
0x13: {  	s11 =	sshrl.u32 s11, $0x3;
	s23 =	sadd.s32 $0x8000, s22;
	[dreg:$0x15] =	wrdreg s15  }
0x14: {  	s14 =	sshrl.u32 s14, $0x3;
	s24 =	sadd.s32 $0xC000, s22;
	[dreg:$0x16] =	wrdreg s23  }
0x15: {  	s26 =	sadd.s32 $0x1400, s13;
	s13 =	simm.s32 $0x15500;
	[dreg:$0x17] =	wrdreg s24  }
0x16: {  	s17 =	sadd.s32 $0xB200, s7;
	s12 =	sadd.s32 s8, s2;
	[dreg:$0x1a] =	wrdreg s26  }
0x17: {  	s11 =	sadd.s32 s11, s2;
	s2 =	sadd.s32 s14, s2;
	[dreg:$0x9] =	wrdreg s13  }
0x18: {  	s14 =	sadd.s32 s10, s3;
	s10 =	sadd.s32 $0x10000, s22;
	[dreg:$0x1e] =	wrdreg s17  }
0x19: {  	s18 =	simm.s32 $0x6;
	s0 =	sadd.s32 s8, s0;
	[dreg:$0x18] =	wrdreg s10  }
0x1a: {  	s19 =	simm.s32 $0x15400;
	s15 =	smax.u32 s6, $0x1;
	[dreg:$0x7] =	wrdreg s0  }
0x1b: {  	s20 =	simm.s32 $0x15800;
	s22 =	simm.s32 $0x15680;
	[dreg:$0x1d] =	wrdreg s15  }
0x1c: {  	s21 =	simm.s32 $0x1DC00;
	s23 =	simm.s32 $0x1EC00;
	[dreg:$0xf] =	wrdreg s22  }
0x1d: {  	s7 =	simm.s32 $0x15B00;
	s24 =	simm.s32 $0x15700;
	[dreg:$0x10] =	wrdreg s23  }
0x1e: {  	s9 =	simm.s32 $0x15B80;
	s26 =	simm.s32 $0x15780;
	[dreg:$0x11] =	wrdreg s24  }
0x1f: {  	s17 =	simm.s32 $0x15C00;
	s8 =	simm.s32 $0x1F400;
	[dreg:$0x13] =	wrdreg s26  }
0x20: {  	s25 =	sadd.s32 $0x5B200, s12;
	s11 =	sadd.s32 $0x6F200, s11;
	[dreg:$0x14] =	wrdreg s14  }
0x21: {  	s12 =	simm.s32 $0x15480;
	s2 =	sadd.s32 $0x3C00, s2;
	[dreg:$0x6] =	wrdreg s25  }
0x22: {  	s22 =	simm.s32 $0x80;
	s23 =	simm.s32 $0x19C00;
	[dreg:$0x1b] =	wrdreg s11  }
0x23: {  	s24 =	simm.s32 $0x1;
	s26 =	simm.s32 $0x2;
	[dreg:$0x1c] =	wrdreg s2  }
0x24: {  	s0 =	simm.s32 $0x15A80;
	s10 =	simm.s32 $0x1F800;
	[dreg:$0x8] =	wrdreg s12  }
0x25: {  	s25 =	simm.s32 $0x1F000;
	s2 =	simm.s32 $0x15A00;
	s11 =	simm.s32 $0x5  }
0x26: {  	v0 =	vimm.f32 $0.0e+00;
	s12 =	simm.s32 $0x0;
	[dreg:$0x12] =	wrdreg s25;
	s25 =	simm.s32 $0x3  }
.LBB2_1:
0x27: {  	s6 =	simm.s32 $0x0;
	s13 =	simm.s32 $0x200  }
.LBB2_2:
0x28: {  	p0 =	sne.s32 s13, $0xFE00;
	[tilespmem:s6+$0x15C70] =	vst v0  }
0x29: {  	[tilespmem:s6+$0x15C00] =	vst v0  }
0x2a: {  	[tilespmem:s6+$0x15C10] =	vst v0  }
.Ltmp0:
0x2b: {  	[tilespmem:s6+$0x15C20] =	vst v0;
	(pc) =	sbr.rel @p0 .LBB2_2-.Ltmp0, $4  }
0x2c: {  	[tilespmem:s6+$0x15C30] =	vst v0  }
0x2d: {  	[tilespmem:s6+$0x15C40] =	vst v0  }
0x2e: {  	[tilespmem:s6+$0x15C50] =	vst v0  }
0x2f: {  	[tilespmem:s6+$0x15C60] =	vst v0;
	s6 =	sshra.s32 s13, $0x2;
	s13 =	sadd.s32 $0x200, s13  }
0x30: {  	[tilespmem:s6+$0x15C70] =	vst v0  }
0x31: {  	[tilespmem:s6+$0x15C00] =	vst v0  }
0x32: {  	[tilespmem:s6+$0x15C10] =	vst v0  }
0x33: {  	[tilespmem:s6+$0x15C20] =	vst v0  }
0x34: {  	[tilespmem:s6+$0x15C30] =	vst v0  }
0x35: {  	[tilespmem:s6+$0x15C40] =	vst v0  }
0x36: {  	[tilespmem:s6+$0x15C50] =	vst v0  }
0x37: {  	[tilespmem:s6+$0x15C60] =	vst v0  }
0x38: {  	[spmem:s14] =	stream.linear.scatter [tilespmem:s17], [sflag:$0x6], $0x4000, $0x38;
	[tilespmem:$0x1FC00] =	vst v63  }
0x39: {  	_ =	swait.ge [sflag:s18], $0x4000  }
0x3a: {  	[sflag:s18] =	ssyncset.done $0x0  }
0x3b: {  	s13 =	rddreg [dreg:$0x15];
	[sflag:s18] =	ssyncadd.s32 $0xFFFFC000  }
0x3c: {  	[spmem:s13] =	stream.linear.scatter [tilespmem:s17], [sflag:$0x6], $0x4000, $0x38;
	[tilespmem:$0x1FC00] =	vst v63  }
0x3d: {  	_ =	swait.ge [sflag:s18], $0x4000  }
0x3e: {  	[sflag:s18] =	ssyncset.done $0x0  }
0x3f: {  	s14 =	rddreg [dreg:$0x16];
	[sflag:s18] =	ssyncadd.s32 $0xFFFFC000  }
0x40: {  	[spmem:s14] =	stream.linear.scatter [tilespmem:s17], [sflag:$0x6], $0x4000, $0x38;
	[tilespmem:$0x1FC00] =	vst v63  }
0x41: {  	_ =	swait.ge [sflag:s18], $0x4000  }
0x42: {  	[sflag:s18] =	ssyncset.done $0x0  }
0x43: {  	s15 =	rddreg [dreg:$0x17];
	[sflag:s18] =	ssyncadd.s32 $0xFFFFC000  }
0x44: {  	[spmem:s15] =	stream.linear.scatter [tilespmem:s17], [sflag:$0x6], $0x4000, $0x38;
	[tilespmem:$0x1FC00] =	vst v63  }
0x45: {  	s13 =	stileid.u32;
	_ =	swait.ge [sflag:s18], $0x4000  }
0x46: {  	s6 =	sshll.u32 s13, $0x6;
	[sflag:s18] =	ssyncset.done $0x0  }
0x47: {  	s13 =	sor.u32 $0x1C06, s6;
	s16 =	rddreg [dreg:$0x18];
	[sflag:s18] =	ssyncadd.s32 $0xFFFFC000  }
0x48: {  	[spmem:s16] =	stream.linear.scatter [tilespmem:s17], [sflag:$0x6], $0x4000, $0x38;
	[tilespmem:$0x1FC00] =	vst v63  }
0x49: {  	_ =	swait.ge [sflag:s18], $0x4000;
	[dreg:$0x1f] =	wrdreg s13  }
0x4a: {  	s14 =	rddreg [dreg:$0x19]  }
0x4b: {  	[sflag:s18] =	ssyncset.done $0x0;
	s16 =	rddreg [dreg:$0x1a];
	s15 =	sshrl.u32 s14, $0x3  }
0x4c: {  	[sflag:s18] =	ssyncadd.s32 $0xFFFFC000;
	[smem:$0x7FD] =	sst s15  }
0x4d: {  	[spmem:s15], [sflag:s13] =	dma.local [hbm:s16], $0x280  }
0x4e: {  	_ =	swait.ge [sflag:s18], $0x280  }
0x4f: {  	[sflag:s18] =	ssyncset.done $0x0  }
0x50: {  	[sflag:s18] =	ssyncadd.s32 $0xFFFFFD80  }
0x51: {  	[bflag:$0x0] =	sbarrier.arrive $0xFFFF  }
0x52: {  	s15 =	rddreg [dreg:$0x7]  }
0x53: {  	s6 =	sadd.s32 $0x0, s15  }
0x54: {  	[tilespmem:s19], [sflag:$0x6] =	stream.linear.gather [hbm4b:s6+s5], $0x400, $0x38;
	[tilespmem:$0x1FC00] =	vst v63  }
0x55: {  	_ =	swait.ge [sflag:s18], $0x400  }
0x56: {  	s16 =	rddreg [dreg:$0x6];
	[sflag:s18] =	ssyncset.done $0x0  }
0x57: {  	[sflag:s18] =	ssyncadd.s32 $0xFFFFFC00;
	s6 =	sadd.s32 $0x0, s16  }
0x58: {  	[tilespmem:s20], [sflag:$0x6] =	stream.linear.gather [hbm4b:s6+s5], $0x400, $0x38;
	[tilespmem:$0x1FC00] =	vst v63  }
0x59: {  	_ =	swait.ge [sflag:s18], $0x400  }
0x5a: {  	[sflag:s18] =	ssyncset.done $0x0  }
0x5b: {  	s16 =	rddreg [dreg:$0x1e];
	[sflag:s18] =	ssyncadd.s32 $0xFFFFFC00  }
0x5c: {  	[tilespmem:s21], [sflag:$0x6] =	stream.linear.gather [hbm4b:s16+s5], $0x2000, $0x38;
	[tilespmem:$0x1FC00] =	vst v63  }
0x5d: {  	_ =	swait.ge [sflag:s18], $0x2000  }
0x5e: {  	[sflag:s18] =	ssyncset.done $0x0  }
0x5f: {  	[sflag:s18] =	ssyncadd.s32 $0xFFFFE000  }
0x60: {  	[tilespmem:s17], [sflag:$0x1] =	stream.indirect.gather [hbm4b:s1+s22], $0x80, s19, s22, $0xb8;
	[tilespmem:$0x1FC00] =	vst v63  }
0x61: {  	s13 =	rddreg [dreg:$0x8]  }
0x62: {  	[tilespmem:s23], [sflag:$0x2] =	stream.indirect.gather [hbm4b:s1+s22], $0x80, s13, s22, $0xb8;
	[tilespmem:$0x1FC00] =	vst v63  }
0x63: {  	_ =	swait.ge [sflag:s24], $0x4000  }
0x64: {  	[sflag:s24] =	ssyncset.done $0x0  }
0x65: {  	[sflag:s24] =	ssyncadd.s32 $0xFFFFC000  }
0x66: {  	[spmem:s3] =	stream.indirect.scatter.add.f32 [tilespmem:s17], [sflag:$0x3], $0x80, s20, s22, $0xb8;
	[tilespmem:$0x1FC00] =	vst v63  }
0x67: {  	_ = 	snop  }
0x68: {  	[spmem:s4] =	stream.indirect.scatter.add.f32 [tilespmem:s21], [sflag:$0x5], $0x8, s20, s22, $0xb8;
	[tilespmem:$0x1FC00] =	vst v63  }
0x69: {  	_ =	swait.ge [sflag:s25], $0x4000  }
0x6a: {  	[sflag:s25] =	ssyncset.done $0x0  }
0x6b: {  	s14 =	rddreg [dreg:$0x9];
	[sflag:s25] =	ssyncadd.s32 $0xFFFFC000  }
0x6c: {  	[tilespmem:s17], [sflag:$0x1] =	stream.indirect.gather [hbm4b:s1+s22], $0x80, s14, s22, $0xb8;
	[tilespmem:$0x1FC00] =	vst v63  }
0x6d: {  	_ =	swait.ge [sflag:s26], $0x4000  }
0x6e: {  	[sflag:s26] =	ssyncset.done $0x0  }
0x6f: {  	[sflag:s26] =	ssyncadd.s32 $0xFFFFC000  }
0x70: {  	[spmem:s3] =	stream.indirect.scatter.add.f32 [tilespmem:s23], [sflag:$0x4], $0x80, s28, s22, $0xb8;
	[tilespmem:$0x1FC00] =	vst v63  }
0x71: {  	s15 =	rddreg [dreg:$0xa]  }
0x72: {  	[spmem:s4] =	stream.indirect.scatter.add.f32 [tilespmem:s15], [sflag:$0x5], $0x8, s28, s22, $0xb8;
	[tilespmem:$0x1FC00] =	vst v63  }
0x73: {  	_ =	swait.ge [sflag:s29], $0x4000  }
0x74: {  	[sflag:s29] =	ssyncset.done $0x0  }
0x75: {  	s13 =	rddreg [dreg:$0xb];
	[sflag:s29] =	ssyncadd.s32 $0xFFFFC000  }
0x76: {  	[tilespmem:s23], [sflag:$0x2] =	stream.indirect.gather [hbm4b:s1+s22], $0x80, s13, s22, $0xb8;
	[tilespmem:$0x1FC00] =	vst v63  }
0x77: {  	_ =	swait.ge [sflag:s24], $0x4000  }
0x78: {  	[sflag:s24] =	ssyncset.done $0x0  }
0x79: {  	[sflag:s24] =	ssyncadd.s32 $0xFFFFC000  }
0x7a: {  	[spmem:s3] =	stream.indirect.scatter.add.f32 [tilespmem:s17], [sflag:$0x3], $0x80, s30, s22, $0xb8;
	[tilespmem:$0x1FC00] =	vst v63  }
0x7b: {  	s14 =	rddreg [dreg:$0xc]  }
0x7c: {  	[spmem:s4] =	stream.indirect.scatter.add.f32 [tilespmem:s14], [sflag:$0x5], $0x8, s30, s22, $0xb8;
	[tilespmem:$0x1FC00] =	vst v63  }
0x7d: {  	_ =	swait.ge [sflag:s25], $0x4000  }
0x7e: {  	[sflag:s25] =	ssyncset.done $0x0  }
0x7f: {  	s15 =	rddreg [dreg:$0xd];
	[sflag:s25] =	ssyncadd.s32 $0xFFFFC000  }
0x80: {  	[tilespmem:s17], [sflag:$0x1] =	stream.indirect.gather [hbm4b:s1+s22], $0x80, s15, s22, $0xb8;
	[tilespmem:$0x1FC00] =	vst v63  }
0x81: {  	_ =	swait.ge [sflag:s26], $0x4000  }
0x82: {  	[sflag:s26] =	ssyncset.done $0x0  }
0x83: {  	[sflag:s26] =	ssyncadd.s32 $0xFFFFC000  }
0x84: {  	[spmem:s3] =	stream.indirect.scatter.add.f32 [tilespmem:s23], [sflag:$0x4], $0x80, s31, s22, $0xb8;
	[tilespmem:$0x1FC00] =	vst v63  }
0x85: {  	s13 =	rddreg [dreg:$0xe]  }
0x86: {  	[spmem:s4] =	stream.indirect.scatter.add.f32 [tilespmem:s13], [sflag:$0x5], $0x8, s31, s22, $0xb8;
	[tilespmem:$0x1FC00] =	vst v63  }
0x87: {  	_ =	swait.ge [sflag:s29], $0x4000  }
0x88: {  	[sflag:s29] =	ssyncset.done $0x0  }
0x89: {  	s14 =	rddreg [dreg:$0xf];
	[sflag:s29] =	ssyncadd.s32 $0xFFFFC000  }
0x8a: {  	[tilespmem:s23], [sflag:$0x2] =	stream.indirect.gather [hbm4b:s1+s22], $0x80, s14, s22, $0xb8;
	[tilespmem:$0x1FC00] =	vst v63  }
0x8b: {  	_ =	swait.ge [sflag:s24], $0x4000  }
0x8c: {  	[sflag:s24] =	ssyncset.done $0x0  }
0x8d: {  	[sflag:s24] =	ssyncadd.s32 $0xFFFFC000  }
0x8e: {  	[spmem:s3] =	stream.indirect.scatter.add.f32 [tilespmem:s17], [sflag:$0x3], $0x80, s2, s22, $0xb8;
	[tilespmem:$0x1FC00] =	vst v63  }
0x8f: {  	s15 =	rddreg [dreg:$0x10]  }
0x90: {  	[spmem:s4] =	stream.indirect.scatter.add.f32 [tilespmem:s15], [sflag:$0x5], $0x8, s2, s22, $0xb8;
	[tilespmem:$0x1FC00] =	vst v63  }
0x91: {  	_ =	swait.ge [sflag:s25], $0x4000  }
0x92: {  	[sflag:s25] =	ssyncset.done $0x0  }
0x93: {  	s13 =	rddreg [dreg:$0x11];
	[sflag:s25] =	ssyncadd.s32 $0xFFFFC000  }
0x94: {  	[tilespmem:s17], [sflag:$0x1] =	stream.indirect.gather [hbm4b:s1+s22], $0x80, s13, s22, $0xb8;
	[tilespmem:$0x1FC00] =	vst v63  }
0x95: {  	_ =	swait.ge [sflag:s26], $0x4000  }
0x96: {  	[sflag:s26] =	ssyncset.done $0x0  }
0x97: {  	[sflag:s26] =	ssyncadd.s32 $0xFFFFC000  }
0x98: {  	[spmem:s3] =	stream.indirect.scatter.add.f32 [tilespmem:s23], [sflag:$0x4], $0x80, s0, s22, $0xb8;
	[tilespmem:$0x1FC00] =	vst v63  }
0x99: {  	s14 =	rddreg [dreg:$0x12]  }
0x9a: {  	[spmem:s4] =	stream.indirect.scatter.add.f32 [tilespmem:s14], [sflag:$0x5], $0x8, s0, s22, $0xb8;
	[tilespmem:$0x1FC00] =	vst v63  }
0x9b: {  	_ =	swait.ge [sflag:s29], $0x4000  }
0x9c: {  	[sflag:s29] =	ssyncset.done $0x0  }
0x9d: {  	s15 =	rddreg [dreg:$0x13];
	[sflag:s29] =	ssyncadd.s32 $0xFFFFC000  }
0x9e: {  	[tilespmem:s23], [sflag:$0x2] =	stream.indirect.gather [hbm4b:s1+s22], $0x80, s15, s22, $0xb8;
	[tilespmem:$0x1FC00] =	vst v63  }
0x9f: {  	_ =	swait.ge [sflag:s24], $0x4000  }
0xa0: {  	[sflag:s24] =	ssyncset.done $0x0  }
0xa1: {  	[sflag:s24] =	ssyncadd.s32 $0xFFFFC000  }
0xa2: {  	[spmem:s3] =	stream.indirect.scatter.add.f32 [tilespmem:s17], [sflag:$0x3], $0x80, s7, s22, $0xb8;
	[tilespmem:$0x1FC00] =	vst v63  }
0xa3: {  	_ = 	snop  }
0xa4: {  	[spmem:s4] =	stream.indirect.scatter.add.f32 [tilespmem:s8], [sflag:$0x5], $0x8, s7, s22, $0xb8;
	[tilespmem:$0x1FC00] =	vst v63  }
0xa5: {  	_ =	swait.ge [sflag:s26], $0x4000  }
0xa6: {  	[sflag:s26] =	ssyncset.done $0x0  }
0xa7: {  	[sflag:s26] =	ssyncadd.s32 $0xFFFFC000  }
0xa8: {  	[spmem:s3] =	stream.indirect.scatter.add.f32 [tilespmem:s23], [sflag:$0x4], $0x80, s9, s22, $0xb8;
	[tilespmem:$0x1FC00] =	vst v63  }
0xa9: {  	_ = 	snop  }
0xaa: {  	[spmem:s4] =	stream.indirect.scatter.add.f32 [tilespmem:s10], [sflag:$0x5], $0x8, s9, s22, $0xb8;
	[tilespmem:$0x1FC00] =	vst v63  }
0xab: {  	_ =	swait.ge [sflag:s25], $0x4000  }
0xac: {  	[sflag:s25] =	ssyncset.done $0x0  }
0xad: {  	[sflag:s25] =	ssyncadd.s32 $0xFFFFC000  }
0xae: {  	_ =	swait.ge [sflag:s29], $0x4000  }
0xaf: {  	[sflag:s29] =	ssyncset.done $0x0  }
0xb0: {  	[sflag:s29] =	ssyncadd.s32 $0xFFFFC000  }
0xb1: {  	_ =	swait.ge [sflag:s11], $0x400  }
0xb2: {  	[sflag:s11] =	ssyncset.done $0x0  }
0xb3: {  	[sflag:s11] =	ssyncadd.s32 $0xFFFFFC00  }
0xb4: {  	_ =	swait.ge [sflag:s11], $0x400  }
0xb5: {  	[sflag:s11] =	ssyncset.done $0x0  }
0xb6: {  	[sflag:s11] =	ssyncadd.s32 $0xFFFFFC00  }
0xb7: {  	_ =	swait.ge [sflag:s11], $0x400  }
0xb8: {  	[sflag:s11] =	ssyncset.done $0x0  }
0xb9: {  	[sflag:s11] =	ssyncadd.s32 $0xFFFFFC00  }
0xba: {  	_ =	swait.ge [sflag:s11], $0x400  }
0xbb: {  	[sflag:s11] =	ssyncset.done $0x0  }
0xbc: {  	[sflag:s11] =	ssyncadd.s32 $0xFFFFFC00  }
0xbd: {  	_ =	swait.ge [sflag:s11], $0x400  }
0xbe: {  	[sflag:s11] =	ssyncset.done $0x0  }
0xbf: {  	[sflag:s11] =	ssyncadd.s32 $0xFFFFFC00  }
0xc0: {  	_ =	swait.ge [sflag:s11], $0x400  }
0xc1: {  	[sflag:s11] =	ssyncset.done $0x0  }
0xc2: {  	[sflag:s11] =	ssyncadd.s32 $0xFFFFFC00  }
0xc3: {  	_ =	swait.ge [sflag:s11], $0x400  }
0xc4: {  	[sflag:s11] =	ssyncset.done $0x0  }
0xc5: {  	[sflag:s11] =	ssyncadd.s32 $0xFFFFFC00  }
0xc6: {  	s6 =	simm.s32 $0x80;
	_ =	swait.ge [sflag:s11], $0x400  }
0xc7: {  	s15 =	simm.s32 $0x100;
	s14 =	rddreg [dreg:$0x7];
	[sflag:s11] =	ssyncset.done $0x0  }
.LBB2_4:
0xc8: {  	[sflag:s11] =	ssyncadd.s32 $0xFFFFFC00;
	s14 =	sadd.s32 s6, s14  }
0xc9: {  	[tilespmem:s19], [sflag:$0x6] =	stream.linear.gather [hbm4b:s14+s5], $0x400, $0x38;
	[tilespmem:$0x1FC00] =	vst v63  }
0xca: {  	_ =	swait.ge [sflag:s18], $0x400  }
0xcb: {  	s14 =	rddreg [dreg:$0x6];
	[sflag:s18] =	ssyncset.done $0x0  }
0xcc: {  	[sflag:s18] =	ssyncadd.s32 $0xFFFFFC00;
	s14 =	sadd.s32 s6, s14  }
0xcd: {  	[tilespmem:s20], [sflag:$0x6] =	stream.linear.gather [hbm4b:s14+s5], $0x400, $0x38;
	[tilespmem:$0x1FC00] =	vst v63  }
0xce: {  	_ =	swait.ge [sflag:s18], $0x400  }
0xcf: {  	[sflag:s18] =	ssyncset.done $0x0  }
0xd0: {  	s16 =	sadd.s32 $0x400, s16;
	[sflag:s18] =	ssyncadd.s32 $0xFFFFFC00  }
0xd1: {  	[tilespmem:s21], [sflag:$0x6] =	stream.linear.gather [hbm4b:s16+s5], $0x2000, $0x38;
	[tilespmem:$0x1FC00] =	vst v63  }
0xd2: {  	_ =	swait.ge [sflag:s18], $0x2000  }
0xd3: {  	[sflag:s18] =	ssyncset.done $0x0  }
0xd4: {  	[sflag:s18] =	ssyncadd.s32 $0xFFFFE000  }
0xd5: {  	[tilespmem:s17], [sflag:$0x1] =	stream.indirect.gather [hbm4b:s1+s22], $0x80, s19, s22, $0xb8;
	[tilespmem:$0x1FC00] =	vst v63  }
0xd6: {  	s14 =	rddreg [dreg:$0x8]  }
0xd7: {  	[tilespmem:s23], [sflag:$0x2] =	stream.indirect.gather [hbm4b:s1+s22], $0x80, s14, s22, $0xb8;
	[tilespmem:$0x1FC00] =	vst v63  }
0xd8: {  	_ =	swait.ge [sflag:s24], $0x4000  }
0xd9: {  	[sflag:s24] =	ssyncset.done $0x0  }
0xda: {  	[sflag:s24] =	ssyncadd.s32 $0xFFFFC000  }
0xdb: {  	[spmem:s3] =	stream.indirect.scatter.add.f32 [tilespmem:s17], [sflag:$0x3], $0x80, s20, s22, $0xb8;
	[tilespmem:$0x1FC00] =	vst v63  }
0xdc: {  	_ = 	snop  }
0xdd: {  	[spmem:s4] =	stream.indirect.scatter.add.f32 [tilespmem:s21], [sflag:$0x5], $0x8, s20, s22, $0xb8;
	[tilespmem:$0x1FC00] =	vst v63  }
0xde: {  	_ =	swait.ge [sflag:s25], $0x4000  }
0xdf: {  	[sflag:s25] =	ssyncset.done $0x0  }
0xe0: {  	s14 =	rddreg [dreg:$0x9];
	[sflag:s25] =	ssyncadd.s32 $0xFFFFC000  }
0xe1: {  	[tilespmem:s17], [sflag:$0x1] =	stream.indirect.gather [hbm4b:s1+s22], $0x80, s14, s22, $0xb8;
	[tilespmem:$0x1FC00] =	vst v63  }
0xe2: {  	_ =	swait.ge [sflag:s26], $0x4000  }
0xe3: {  	[sflag:s26] =	ssyncset.done $0x0  }
0xe4: {  	[sflag:s26] =	ssyncadd.s32 $0xFFFFC000  }
0xe5: {  	[spmem:s3] =	stream.indirect.scatter.add.f32 [tilespmem:s23], [sflag:$0x4], $0x80, s28, s22, $0xb8;
	[tilespmem:$0x1FC00] =	vst v63  }
0xe6: {  	s14 =	rddreg [dreg:$0xa]  }
0xe7: {  	[spmem:s4] =	stream.indirect.scatter.add.f32 [tilespmem:s14], [sflag:$0x5], $0x8, s28, s22, $0xb8;
	[tilespmem:$0x1FC00] =	vst v63  }
0xe8: {  	_ =	swait.ge [sflag:s29], $0x4000  }
0xe9: {  	[sflag:s29] =	ssyncset.done $0x0  }
0xea: {  	s14 =	rddreg [dreg:$0xb];
	[sflag:s29] =	ssyncadd.s32 $0xFFFFC000  }
0xeb: {  	[tilespmem:s23], [sflag:$0x2] =	stream.indirect.gather [hbm4b:s1+s22], $0x80, s14, s22, $0xb8;
	[tilespmem:$0x1FC00] =	vst v63  }
0xec: {  	_ =	swait.ge [sflag:s24], $0x4000  }
0xed: {  	[sflag:s24] =	ssyncset.done $0x0  }
0xee: {  	[sflag:s24] =	ssyncadd.s32 $0xFFFFC000  }
0xef: {  	[spmem:s3] =	stream.indirect.scatter.add.f32 [tilespmem:s17], [sflag:$0x3], $0x80, s30, s22, $0xb8;
	[tilespmem:$0x1FC00] =	vst v63  }
0xf0: {  	s14 =	rddreg [dreg:$0xc]  }
0xf1: {  	[spmem:s4] =	stream.indirect.scatter.add.f32 [tilespmem:s14], [sflag:$0x5], $0x8, s30, s22, $0xb8;
	[tilespmem:$0x1FC00] =	vst v63  }
0xf2: {  	_ =	swait.ge [sflag:s25], $0x4000  }
0xf3: {  	[sflag:s25] =	ssyncset.done $0x0  }
0xf4: {  	s14 =	rddreg [dreg:$0xd];
	[sflag:s25] =	ssyncadd.s32 $0xFFFFC000  }
0xf5: {  	[tilespmem:s17], [sflag:$0x1] =	stream.indirect.gather [hbm4b:s1+s22], $0x80, s14, s22, $0xb8;
	[tilespmem:$0x1FC00] =	vst v63  }
0xf6: {  	_ =	swait.ge [sflag:s26], $0x4000  }
0xf7: {  	[sflag:s26] =	ssyncset.done $0x0  }
0xf8: {  	[sflag:s26] =	ssyncadd.s32 $0xFFFFC000  }
0xf9: {  	[spmem:s3] =	stream.indirect.scatter.add.f32 [tilespmem:s23], [sflag:$0x4], $0x80, s31, s22, $0xb8;
	[tilespmem:$0x1FC00] =	vst v63  }
0xfa: {  	s14 =	rddreg [dreg:$0xe]  }
0xfb: {  	[spmem:s4] =	stream.indirect.scatter.add.f32 [tilespmem:s14], [sflag:$0x5], $0x8, s31, s22, $0xb8;
	[tilespmem:$0x1FC00] =	vst v63  }
0xfc: {  	_ =	swait.ge [sflag:s29], $0x4000  }
0xfd: {  	[sflag:s29] =	ssyncset.done $0x0  }
0xfe: {  	s14 =	rddreg [dreg:$0xf];
	[sflag:s29] =	ssyncadd.s32 $0xFFFFC000  }
0xff: {  	[tilespmem:s23], [sflag:$0x2] =	stream.indirect.gather [hbm4b:s1+s22], $0x80, s14, s22, $0xb8;
	[tilespmem:$0x1FC00] =	vst v63  }
0x100: {  	_ =	swait.ge [sflag:s24], $0x4000  }
0x101: {  	[sflag:s24] =	ssyncset.done $0x0  }
0x102: {  	[sflag:s24] =	ssyncadd.s32 $0xFFFFC000  }
0x103: {  	[spmem:s3] =	stream.indirect.scatter.add.f32 [tilespmem:s17], [sflag:$0x3], $0x80, s2, s22, $0xb8;
	[tilespmem:$0x1FC00] =	vst v63  }
0x104: {  	s14 =	rddreg [dreg:$0x10]  }
0x105: {  	[spmem:s4] =	stream.indirect.scatter.add.f32 [tilespmem:s14], [sflag:$0x5], $0x8, s2, s22, $0xb8;
	[tilespmem:$0x1FC00] =	vst v63  }
0x106: {  	_ =	swait.ge [sflag:s25], $0x4000  }
0x107: {  	[sflag:s25] =	ssyncset.done $0x0  }
0x108: {  	s14 =	rddreg [dreg:$0x11];
	[sflag:s25] =	ssyncadd.s32 $0xFFFFC000  }
0x109: {  	[tilespmem:s17], [sflag:$0x1] =	stream.indirect.gather [hbm4b:s1+s22], $0x80, s14, s22, $0xb8;
	[tilespmem:$0x1FC00] =	vst v63  }
0x10a: {  	_ =	swait.ge [sflag:s26], $0x4000  }
0x10b: {  	[sflag:s26] =	ssyncset.done $0x0  }
0x10c: {  	[sflag:s26] =	ssyncadd.s32 $0xFFFFC000  }
0x10d: {  	[spmem:s3] =	stream.indirect.scatter.add.f32 [tilespmem:s23], [sflag:$0x4], $0x80, s0, s22, $0xb8;
	[tilespmem:$0x1FC00] =	vst v63  }
0x10e: {  	s14 =	rddreg [dreg:$0x12]  }
0x10f: {  	[spmem:s4] =	stream.indirect.scatter.add.f32 [tilespmem:s14], [sflag:$0x5], $0x8, s0, s22, $0xb8;
	[tilespmem:$0x1FC00] =	vst v63  }
0x110: {  	_ =	swait.ge [sflag:s29], $0x4000  }
0x111: {  	[sflag:s29] =	ssyncset.done $0x0  }
0x112: {  	s14 =	rddreg [dreg:$0x13];
	[sflag:s29] =	ssyncadd.s32 $0xFFFFC000  }
0x113: {  	[tilespmem:s23], [sflag:$0x2] =	stream.indirect.gather [hbm4b:s1+s22], $0x80, s14, s22, $0xb8;
	[tilespmem:$0x1FC00] =	vst v63  }
0x114: {  	_ =	swait.ge [sflag:s24], $0x4000  }
0x115: {  	[sflag:s24] =	ssyncset.done $0x0  }
0x116: {  	[sflag:s24] =	ssyncadd.s32 $0xFFFFC000  }
0x117: {  	[spmem:s3] =	stream.indirect.scatter.add.f32 [tilespmem:s17], [sflag:$0x3], $0x80, s7, s22, $0xb8;
	[tilespmem:$0x1FC00] =	vst v63  }
0x118: {  	_ = 	snop  }
0x119: {  	[spmem:s4] =	stream.indirect.scatter.add.f32 [tilespmem:s8], [sflag:$0x5], $0x8, s7, s22, $0xb8;
	[tilespmem:$0x1FC00] =	vst v63  }
0x11a: {  	_ =	swait.ge [sflag:s26], $0x4000  }
0x11b: {  	[sflag:s26] =	ssyncset.done $0x0  }
0x11c: {  	[sflag:s26] =	ssyncadd.s32 $0xFFFFC000  }
0x11d: {  	[spmem:s3] =	stream.indirect.scatter.add.f32 [tilespmem:s23], [sflag:$0x4], $0x80, s9, s22, $0xb8;
	[tilespmem:$0x1FC00] =	vst v63  }
0x11e: {  	_ = 	snop  }
0x11f: {  	[spmem:s4] =	stream.indirect.scatter.add.f32 [tilespmem:s10], [sflag:$0x5], $0x8, s9, s22, $0xb8;
	[tilespmem:$0x1FC00] =	vst v63  }
0x120: {  	_ =	swait.ge [sflag:s25], $0x4000  }
0x121: {  	[sflag:s25] =	ssyncset.done $0x0  }
0x122: {  	[sflag:s25] =	ssyncadd.s32 $0xFFFFC000  }
0x123: {  	_ =	swait.ge [sflag:s29], $0x4000  }
0x124: {  	[sflag:s29] =	ssyncset.done $0x0  }
0x125: {  	[sflag:s29] =	ssyncadd.s32 $0xFFFFC000  }
0x126: {  	_ =	swait.ge [sflag:s11], $0x400  }
0x127: {  	[sflag:s11] =	ssyncset.done $0x0  }
0x128: {  	[sflag:s11] =	ssyncadd.s32 $0xFFFFFC00  }
0x129: {  	_ =	swait.ge [sflag:s11], $0x400  }
0x12a: {  	[sflag:s11] =	ssyncset.done $0x0  }
0x12b: {  	[sflag:s11] =	ssyncadd.s32 $0xFFFFFC00  }
0x12c: {  	_ =	swait.ge [sflag:s11], $0x400  }
0x12d: {  	[sflag:s11] =	ssyncset.done $0x0  }
0x12e: {  	[sflag:s11] =	ssyncadd.s32 $0xFFFFFC00  }
0x12f: {  	_ =	swait.ge [sflag:s11], $0x400  }
0x130: {  	[sflag:s11] =	ssyncset.done $0x0  }
0x131: {  	[sflag:s11] =	ssyncadd.s32 $0xFFFFFC00  }
0x132: {  	_ =	swait.ge [sflag:s11], $0x400  }
0x133: {  	[sflag:s11] =	ssyncset.done $0x0  }
0x134: {  	[sflag:s11] =	ssyncadd.s32 $0xFFFFFC00  }
0x135: {  	_ =	swait.ge [sflag:s11], $0x400  }
0x136: {  	[sflag:s11] =	ssyncset.done $0x0  }
0x137: {  	p0 =	sne.s32 s15, $0x980;
	[sflag:s11] =	ssyncadd.s32 $0xFFFFFC00  }
.Ltmp1:
0x138: {  	_ =	swait.ge [sflag:s11], $0x400;
	(pc) =	sbr.rel @p0 .LBB2_4-.Ltmp1, $4  }
0x139: {  	[sflag:s11] =	ssyncset.done $0x0  }
0x13a: {  	[sflag:s11] =	ssyncadd.s32 $0xFFFFFC00  }
0x13b: {  	s13 =	smov.u32 s15;
	s15 =	sadd.s32 $0x80, s15;
	_ =	swait.ge [sflag:s11], $0x400  }
0x13c: {  	s6 =	smov.u32 s13;
	s14 =	rddreg [dreg:$0x7];
	[sflag:s11] =	ssyncset.done $0x0  }
0x13d: {  	[sflag:s11] =	ssyncadd.s32 $0xFFFFFC00;
	s13 =	sadd.s32 s6, s14  }
0x13e: {  	[tilespmem:s19], [sflag:$0x6] =	stream.linear.gather [hbm4b:s13+s5], $0x400, $0x38;
	[tilespmem:$0x1FC00] =	vst v63  }
0x13f: {  	_ =	swait.ge [sflag:s18], $0x400  }
0x140: {  	s14 =	rddreg [dreg:$0x6];
	[sflag:s18] =	ssyncset.done $0x0  }
0x141: {  	s15 =	sadd.s32 s6, s14;
	[sflag:s18] =	ssyncadd.s32 $0xFFFFFC00  }
0x142: {  	[tilespmem:s20], [sflag:$0x6] =	stream.linear.gather [hbm4b:s15+s5], $0x400, $0x38;
	[tilespmem:$0x1FC00] =	vst v63  }
0x143: {  	_ =	swait.ge [sflag:s18], $0x400  }
0x144: {  	[sflag:s18] =	ssyncset.done $0x0  }
0x145: {  	s16 =	sadd.s32 $0x400, s16;
	[sflag:s18] =	ssyncadd.s32 $0xFFFFFC00  }
0x146: {  	[tilespmem:s21], [sflag:$0x6] =	stream.linear.gather [hbm4b:s16+s5], $0x2000, $0x38;
	[tilespmem:$0x1FC00] =	vst v63  }
0x147: {  	_ =	swait.ge [sflag:s18], $0x2000  }
0x148: {  	[sflag:s18] =	ssyncset.done $0x0  }
0x149: {  	[sflag:s18] =	ssyncadd.s32 $0xFFFFE000  }
0x14a: {  	[tilespmem:s17], [sflag:$0x1] =	stream.indirect.gather [hbm4b:s1+s22], $0x80, s19, s22, $0xb8;
	[tilespmem:$0x1FC00] =	vst v63  }
0x14b: {  	s13 =	rddreg [dreg:$0x8]  }
0x14c: {  	[tilespmem:s23], [sflag:$0x2] =	stream.indirect.gather [hbm4b:s1+s22], $0x80, s13, s22, $0xb8;
	[tilespmem:$0x1FC00] =	vst v63  }
0x14d: {  	_ =	swait.ge [sflag:s24], $0x4000  }
0x14e: {  	[sflag:s24] =	ssyncset.done $0x0  }
0x14f: {  	[sflag:s24] =	ssyncadd.s32 $0xFFFFC000  }
0x150: {  	[spmem:s3] =	stream.indirect.scatter.add.f32 [tilespmem:s17], [sflag:$0x3], $0x80, s20, s22, $0xb8;
	[tilespmem:$0x1FC00] =	vst v63  }
0x151: {  	_ = 	snop  }
0x152: {  	[spmem:s4] =	stream.indirect.scatter.add.f32 [tilespmem:s21], [sflag:$0x5], $0x8, s20, s22, $0xb8;
	[tilespmem:$0x1FC00] =	vst v63  }
0x153: {  	_ =	swait.ge [sflag:s25], $0x4000  }
0x154: {  	[sflag:s25] =	ssyncset.done $0x0  }
0x155: {  	s14 =	rddreg [dreg:$0x9];
	[sflag:s25] =	ssyncadd.s32 $0xFFFFC000  }
0x156: {  	[tilespmem:s17], [sflag:$0x1] =	stream.indirect.gather [hbm4b:s1+s22], $0x80, s14, s22, $0xb8;
	[tilespmem:$0x1FC00] =	vst v63  }
0x157: {  	_ =	swait.ge [sflag:s26], $0x4000  }
0x158: {  	[sflag:s26] =	ssyncset.done $0x0  }
0x159: {  	[sflag:s26] =	ssyncadd.s32 $0xFFFFC000  }
0x15a: {  	[spmem:s3] =	stream.indirect.scatter.add.f32 [tilespmem:s23], [sflag:$0x4], $0x80, s28, s22, $0xb8;
	[tilespmem:$0x1FC00] =	vst v63  }
0x15b: {  	s15 =	rddreg [dreg:$0xa]  }
0x15c: {  	[spmem:s4] =	stream.indirect.scatter.add.f32 [tilespmem:s15], [sflag:$0x5], $0x8, s28, s22, $0xb8;
	[tilespmem:$0x1FC00] =	vst v63  }
0x15d: {  	_ =	swait.ge [sflag:s29], $0x4000  }
0x15e: {  	[sflag:s29] =	ssyncset.done $0x0  }
0x15f: {  	s16 =	rddreg [dreg:$0xb];
	[sflag:s29] =	ssyncadd.s32 $0xFFFFC000  }
0x160: {  	[tilespmem:s23], [sflag:$0x2] =	stream.indirect.gather [hbm4b:s1+s22], $0x80, s16, s22, $0xb8;
	[tilespmem:$0x1FC00] =	vst v63  }
0x161: {  	_ =	swait.ge [sflag:s24], $0x4000  }
0x162: {  	[sflag:s24] =	ssyncset.done $0x0  }
0x163: {  	[sflag:s24] =	ssyncadd.s32 $0xFFFFC000  }
0x164: {  	[spmem:s3] =	stream.indirect.scatter.add.f32 [tilespmem:s17], [sflag:$0x3], $0x80, s30, s22, $0xb8;
	[tilespmem:$0x1FC00] =	vst v63  }
0x165: {  	s13 =	rddreg [dreg:$0xc]  }
0x166: {  	[spmem:s4] =	stream.indirect.scatter.add.f32 [tilespmem:s13], [sflag:$0x5], $0x8, s30, s22, $0xb8;
	[tilespmem:$0x1FC00] =	vst v63  }
0x167: {  	_ =	swait.ge [sflag:s25], $0x4000  }
0x168: {  	[sflag:s25] =	ssyncset.done $0x0  }
0x169: {  	s14 =	rddreg [dreg:$0xd];
	[sflag:s25] =	ssyncadd.s32 $0xFFFFC000  }
0x16a: {  	[tilespmem:s17], [sflag:$0x1] =	stream.indirect.gather [hbm4b:s1+s22], $0x80, s14, s22, $0xb8;
	[tilespmem:$0x1FC00] =	vst v63  }
0x16b: {  	_ =	swait.ge [sflag:s26], $0x4000  }
0x16c: {  	[sflag:s26] =	ssyncset.done $0x0  }
0x16d: {  	[sflag:s26] =	ssyncadd.s32 $0xFFFFC000  }
0x16e: {  	[spmem:s3] =	stream.indirect.scatter.add.f32 [tilespmem:s23], [sflag:$0x4], $0x80, s31, s22, $0xb8;
	[tilespmem:$0x1FC00] =	vst v63  }
0x16f: {  	s15 =	rddreg [dreg:$0xe]  }
0x170: {  	[spmem:s4] =	stream.indirect.scatter.add.f32 [tilespmem:s15], [sflag:$0x5], $0x8, s31, s22, $0xb8;
	[tilespmem:$0x1FC00] =	vst v63  }
0x171: {  	_ =	swait.ge [sflag:s29], $0x4000  }
0x172: {  	[sflag:s29] =	ssyncset.done $0x0  }
0x173: {  	s16 =	rddreg [dreg:$0xf];
	[sflag:s29] =	ssyncadd.s32 $0xFFFFC000  }
0x174: {  	[tilespmem:s23], [sflag:$0x2] =	stream.indirect.gather [hbm4b:s1+s22], $0x80, s16, s22, $0xb8;
	[tilespmem:$0x1FC00] =	vst v63  }
0x175: {  	_ =	swait.ge [sflag:s24], $0x4000  }
0x176: {  	[sflag:s24] =	ssyncset.done $0x0  }
0x177: {  	[sflag:s24] =	ssyncadd.s32 $0xFFFFC000  }
0x178: {  	[spmem:s3] =	stream.indirect.scatter.add.f32 [tilespmem:s17], [sflag:$0x3], $0x80, s2, s22, $0xb8;
	[tilespmem:$0x1FC00] =	vst v63  }
0x179: {  	s13 =	rddreg [dreg:$0x10]  }
0x17a: {  	[spmem:s4] =	stream.indirect.scatter.add.f32 [tilespmem:s13], [sflag:$0x5], $0x8, s2, s22, $0xb8;
	[tilespmem:$0x1FC00] =	vst v63  }
0x17b: {  	_ =	swait.ge [sflag:s25], $0x4000  }
0x17c: {  	[sflag:s25] =	ssyncset.done $0x0  }
0x17d: {  	s14 =	rddreg [dreg:$0x11];
	[sflag:s25] =	ssyncadd.s32 $0xFFFFC000  }
0x17e: {  	[tilespmem:s17], [sflag:$0x1] =	stream.indirect.gather [hbm4b:s1+s22], $0x80, s14, s22, $0xb8;
	[tilespmem:$0x1FC00] =	vst v63  }
0x17f: {  	_ =	swait.ge [sflag:s26], $0x4000  }
0x180: {  	[sflag:s26] =	ssyncset.done $0x0  }
0x181: {  	[sflag:s26] =	ssyncadd.s32 $0xFFFFC000  }
0x182: {  	[spmem:s3] =	stream.indirect.scatter.add.f32 [tilespmem:s23], [sflag:$0x4], $0x80, s0, s22, $0xb8;
	[tilespmem:$0x1FC00] =	vst v63  }
0x183: {  	s15 =	rddreg [dreg:$0x12]  }
0x184: {  	[spmem:s4] =	stream.indirect.scatter.add.f32 [tilespmem:s15], [sflag:$0x5], $0x8, s0, s22, $0xb8;
	[tilespmem:$0x1FC00] =	vst v63  }
0x185: {  	_ =	swait.ge [sflag:s29], $0x4000  }
0x186: {  	[sflag:s29] =	ssyncset.done $0x0  }
0x187: {  	s16 =	rddreg [dreg:$0x13];
	[sflag:s29] =	ssyncadd.s32 $0xFFFFC000  }
0x188: {  	[tilespmem:s23], [sflag:$0x2] =	stream.indirect.gather [hbm4b:s1+s22], $0x80, s16, s22, $0xb8;
	[tilespmem:$0x1FC00] =	vst v63  }
0x189: {  	_ =	swait.ge [sflag:s24], $0x4000  }
0x18a: {  	[sflag:s24] =	ssyncset.done $0x0  }
0x18b: {  	[sflag:s24] =	ssyncadd.s32 $0xFFFFC000  }
0x18c: {  	[spmem:s3] =	stream.indirect.scatter.add.f32 [tilespmem:s17], [sflag:$0x3], $0x80, s7, s22, $0xb8;
	[tilespmem:$0x1FC00] =	vst v63  }
0x18d: {  	_ = 	snop  }
0x18e: {  	[spmem:s4] =	stream.indirect.scatter.add.f32 [tilespmem:s8], [sflag:$0x5], $0x8, s7, s22, $0xb8;
	[tilespmem:$0x1FC00] =	vst v63  }
0x18f: {  	_ =	swait.ge [sflag:s26], $0x4000  }
0x190: {  	[sflag:s26] =	ssyncset.done $0x0  }
0x191: {  	[sflag:s26] =	ssyncadd.s32 $0xFFFFC000  }
0x192: {  	[spmem:s3] =	stream.indirect.scatter.add.f32 [tilespmem:s23], [sflag:$0x4], $0x80, s9, s22, $0xb8;
	[tilespmem:$0x1FC00] =	vst v63  }
0x193: {  	_ = 	snop  }
0x194: {  	[spmem:s4] =	stream.indirect.scatter.add.f32 [tilespmem:s10], [sflag:$0x5], $0x8, s9, s22, $0xb8;
	[tilespmem:$0x1FC00] =	vst v63  }
0x195: {  	_ =	swait.ge [sflag:s25], $0x4000  }
0x196: {  	[sflag:s25] =	ssyncset.done $0x0  }
0x197: {  	[sflag:s25] =	ssyncadd.s32 $0xFFFFC000  }
0x198: {  	_ =	swait.ge [sflag:s29], $0x4000  }
0x199: {  	[sflag:s29] =	ssyncset.done $0x0  }
0x19a: {  	[sflag:s29] =	ssyncadd.s32 $0xFFFFC000  }
0x19b: {  	_ =	swait.ge [sflag:s11], $0x400  }
0x19c: {  	[sflag:s11] =	ssyncset.done $0x0  }
0x19d: {  	[sflag:s11] =	ssyncadd.s32 $0xFFFFFC00  }
0x19e: {  	_ =	swait.ge [sflag:s11], $0x400  }
0x19f: {  	[sflag:s11] =	ssyncset.done $0x0  }
0x1a0: {  	[sflag:s11] =	ssyncadd.s32 $0xFFFFFC00  }
0x1a1: {  	_ =	swait.ge [sflag:s11], $0x400  }
0x1a2: {  	[sflag:s11] =	ssyncset.done $0x0  }
0x1a3: {  	[sflag:s11] =	ssyncadd.s32 $0xFFFFFC00  }
0x1a4: {  	_ =	swait.ge [sflag:s11], $0x400  }
0x1a5: {  	[sflag:s11] =	ssyncset.done $0x0  }
0x1a6: {  	[sflag:s11] =	ssyncadd.s32 $0xFFFFFC00  }
0x1a7: {  	_ =	swait.ge [sflag:s11], $0x400  }
0x1a8: {  	[sflag:s11] =	ssyncset.done $0x0  }
0x1a9: {  	[sflag:s11] =	ssyncadd.s32 $0xFFFFFC00  }
0x1aa: {  	_ =	swait.ge [sflag:s11], $0x400  }
0x1ab: {  	[sflag:s11] =	ssyncset.done $0x0  }
0x1ac: {  	[sflag:s11] =	ssyncadd.s32 $0xFFFFFC00  }
0x1ad: {  	_ =	swait.ge [sflag:s11], $0x400  }
0x1ae: {  	[sflag:s11] =	ssyncset.done $0x0  }
0x1af: {  	[sflag:s11] =	ssyncadd.s32 $0xFFFFFC00  }
0x1b0: {  	_ =	swait.ge [sflag:s11], $0x400  }
0x1b1: {  	[sflag:s11] =	ssyncset.done $0x0  }
0x1b2: {  	[sflag:s11] =	ssyncadd.s32 $0xFFFFFC00  }
0x1b3: {  	[bflag:$0x0] =	sbarrier.arrive $0xFFFF  }
0x1b4: {  	s14 =	rddreg [dreg:$0x14]  }
0x1b5: {  	s16 =	rddreg [dreg:$0x1b]  }
0x1b6: {  	s15 =	rddreg [dreg:$0x1f];
	s13 =	sshrl.u32 s14, $0x3  }
0x1b7: {  	[hbm:s16], [sflag:s15] =	dma.local [spmem:s13], $0x2800  }
0x1b8: {  	_ =	swait.ge [sflag:s18], $0x2800  }
0x1b9: {  	s16 =	sld [smem:$0x7FD]  }
0x1ba: {  	[sflag:s18] =	ssyncset.done $0x0  }
0x1bb: {  	s13 =	rddreg [dreg:$0x1c];
	[sflag:s18] =	ssyncadd.s32 $0xFFFFD800  }
0x1bc: {  	[hbm:s13], [sflag:s15] =	dma.local [spmem:s16], $0x280  }
0x1bd: {  	_ =	swait.ge [sflag:s18], $0x280  }
0x1be: {  	s12 =	sadd.s32 $0x1, s12;
	s16 =	rddreg [dreg:$0x1d]  }
0x1bf: {  	p0 =	sne.s32 s12, s16  }
.Ltmp2:
0x1c0: {  	_ = 	snop;
	(pc) =	sbr.rel @p0 .LBB2_1-.Ltmp2, $3  }
0x1c1: {  	_ =	sdelay $0x1  }
0x1c2: {  	[sflag:s18] =	ssyncset.done $0x0  }
0x1c3: {  	[sflag:s18] =	ssyncadd.s32 $0xFFFFFD80  }
0x1c4: {  	_ =	sfence.sel $0x180000  }
0x1c5: {  	[bflag:$0x0] =	sbarrier.arrive $0xFFFF  }
0x1c6: {  	_ =	strace $0x90000047  }
0x1c7: {  	s0 =	stileid.u32;
	[bflag:$0x2] =	sbarrier.arrive $0xFFFF  }
0x1c8: {  	p0 =	sne.s32 s0, $0x0;
	s0 =	rddreg [dreg:$0x5]  }
0x1c9: {  	s0 =	sadd.s32 @!p0 $0x100000, s0  }
0x1ca: {  	[sflag:s0] =	ssyncadd.tile.s32 @!p0 $0x1;
	_ =	shalt  }
.Lfunc_end2:
_tile_overlayer_lowered:
.L_overlay_start_2:
0x1cb: {  	(tag) =	ssettag $0x2  }
0x1cc: {  	s0 =	rddreg [dreg:$0x0];
	s2 =	stileid.u32  }
0x1cd: {  	s1 =	rddreg [dreg:$0x1];
	p0 =	sne.s32 s2, $0x0  }
0x1ce: {  	s3 =	rddreg [dreg:$0x2];
	[bflag:$0x3] =	sbarrier.arrive $0xFFFF;
	s2 =	simm.s32 @!p0 $0x1C06  }
0x1cf: {  	[timem:s3], [sflag:s2] =	dma.local @!p0 [hbm:s0], s1  }
0x1d0: {  	s0 =	simm.s32 @!p0 $0x6  }
0x1d1: {  	_ =	swait.ge @!p0 [sflag:s0], s1  }
0x1d2: {  	s1 =	ssub.s32 @!p0 $0x0, s1;
	[sflag:s0] =	ssyncset.done @!p0 $0x0  }
0x1d3: {  	[sflag:s0] =	ssyncadd.s32 @!p0 s1  }
0x1d4: {  	[bflag:$0x3] =	sbarrier.arrive $0xFFFF  }
0x1d5: {  	_ =	shalt  }

</sc_bundles>
